<compile_context>
chip_gen: v7x
topology: tpu7x:2x2x1
jax: 0.10.2.dev20260603
libtpu: 0.0.44.dev20260713+nightly
codegen_flags: <defaults>
</compile_context>

<pallas_src>
import functools

import jax
import jax.numpy as jnp
from jax import lax
from jax.experimental import pallas as pl
from jax.experimental.pallas import tpu as pltpu
from jax.experimental.pallas import tpu_sc as plsc

D_MODEL = 64
EPS = 1e-5

NUM_CORES = 2
NUM_SUBCORES = 16
NUM_WORKERS = NUM_CORES * NUM_SUBCORES

GATHER_W = 128
CHUNK_GATHERS = 4
CHUNK_ROWS = CHUNK_GATHERS * GATHER_W


@functools.cache
def _make_gather(n_rows: int):
    assert n_rows % (NUM_WORKERS * CHUNK_ROWS * 2) == 0
    chunks_per_w = n_rows // (NUM_WORKERS * CHUNK_ROWS)
    mesh = plsc.VectorSubcoreMesh(core_axis_name="c", subcore_axis_name="s")

    @functools.partial(
        pl.kernel,
        out_type=jax.ShapeDtypeStruct((n_rows, 2 * D_MODEL), jnp.float32),
        mesh=mesh,
        scratch_types=[
            pltpu.VMEM((2, CHUNK_GATHERS, GATHER_W), jnp.int32),
            pltpu.VMEM((2, CHUNK_ROWS, D_MODEL), jnp.float32),
            pltpu.SemaphoreType.DMA,
            pltpu.SemaphoreType.DMA,
        ],
        compiler_params=pltpu.CompilerParams(use_tc_tiling_on_sc=False),
    )
    def gather_k(idx_hbm, table_hbm, out_hbm, idx_v, rows_v, sem0, sem1):
        wid = lax.axis_index("s") * NUM_CORES + lax.axis_index("c")
        sems = (sem0, sem1)

        def issue(c, b):
            blk = wid * chunks_per_w + c
            pltpu.sync_copy(
                idx_hbm.at[pl.ds(blk * CHUNK_GATHERS, CHUNK_GATHERS)], idx_v.at[b]
            )
            for j in range(CHUNK_GATHERS):
                pltpu.async_copy(
                    table_hbm.at[idx_v.at[b].at[j]],
                    rows_v.at[b].at[pl.ds(j * GATHER_W, GATHER_W)],
                    sems[b],
                )

        def drain(b):
            for j in range(CHUNK_GATHERS):
                pltpu.make_async_copy(
                    table_hbm.at[idx_v.at[b].at[j]],
                    rows_v.at[b].at[pl.ds(j * GATHER_W, GATHER_W)],
                    sems[b],
                ).wait()

        issue(0, 0)
        issue(1, 1)

        def pair_body(p, carry):
            for b in range(2):
                c = 2 * p + b
                drain(b)
                blk = wid * chunks_per_w + c
                pltpu.sync_copy(
                    rows_v.at[b],
                    out_hbm.at[
                        pl.ds(blk * CHUNK_ROWS, CHUNK_ROWS), pl.ds(0, D_MODEL)
                    ],
                )

                @pl.when(c + 2 < chunks_per_w)
                def _():
                    issue(c + 2, b)
            return carry

        lax.fori_loop(0, chunks_per_w // 2, pair_body, 0)

    return gather_k


def _ln_body(x_ref, g_ref, b_ref, o_ref):
    d = D_MODEL
    sel = x_ref[:, :d]
    xt = jnp.transpose(sel)
    ones_d = jnp.full((d, d), 1.0 / d, dtype=jnp.float32)
    mean = jax.lax.dot_general(
        ones_d, xt, (((1,), (0,)), ((), ())), preferred_element_type=jnp.float32
    )
    ex2 = jax.lax.dot_general(
        ones_d, xt * xt, (((1,), (0,)), ((), ())), preferred_element_type=jnp.float32
    )
    var = ex2 - mean * mean
    inv = lax.rsqrt(var + EPS)
    gt = jnp.transpose(g_ref[...])
    bt = jnp.transpose(b_ref[...])
    o_ref[0] = (xt - mean) * inv * gt + bt


@functools.cache
def _make_ln(n_rows: int, block_rows: int):
    assert n_rows % block_rows == 0
    n_blocks = n_rows // block_rows
    d = D_MODEL
    return pl.pallas_call(
        _ln_body,
        grid=(n_blocks,),
        in_specs=[
            pl.BlockSpec((block_rows, 2 * d), lambda i: (i, 0)),
            pl.BlockSpec((1, d), lambda i: (0, 0)),
            pl.BlockSpec((1, d), lambda i: (0, 0)),
        ],
        out_specs=pl.BlockSpec((1, d, block_rows), lambda i: (i, 0, 0)),
        out_shape=jax.ShapeDtypeStruct((n_blocks, d, block_rows), jnp.float32),
    )


def kernel(job_id, table, gamma, beta):
    batch, hist = job_id.shape
    n_rows = batch * hist
    d = table.shape[1]
    flat = jnp.swapaxes(job_id, 0, 1).reshape(n_rows).astype(jnp.int32)
    idx2 = flat.reshape(n_rows // GATHER_W, GATHER_W)
    gathered = _make_gather(n_rows)(idx2, table)
    out3 = _make_ln(n_rows, batch)(
        gathered, gamma.reshape(1, d), beta.reshape(1, d)
    )
    return jnp.transpose(out3, (2, 0, 1))

# --- scband reference (transcript-rebuilt; emitter-appended) ---
"""Pipeline reference for scband-job-embedding-22720376995919 (READ-ONLY COPY).

The authoritative reference and input builder live on the scoring server;
editing this copy changes nothing except your own understanding.
"""

import jax, jax.numpy as jnp
import numpy as np

NITEM = 1000000
D_MODEL = 64
BATCH = 4096
HIST = 200
EPS = 1e-5


def setup_inputs(seed: int = 0) -> dict:
    key = jax.random.key(seed)
    k1, k2 = jax.random.split(key)
    job_id = jax.random.randint(k1, (BATCH, HIST), 0, NITEM, dtype=jnp.int32).astype(jnp.int64) if False else jax.random.randint(k1, (BATCH, HIST), 0, NITEM)
    # embedding table, N(0, 0.02), padding row 0 zeroed
    table = jax.random.normal(k2, (NITEM, D_MODEL), dtype=jnp.float32) * 0.02
    table = table.at[0].set(0.0)
    gamma = jnp.ones((D_MODEL,), dtype=jnp.float32)
    beta = jnp.zeros((D_MODEL,), dtype=jnp.float32)
    return {"job_id": job_id, "table": table, "gamma": gamma, "beta": beta}


def reference(job_id, table, gamma, beta):
    # job_id embedding lookup (JobFeatureEmbeddings features all disabled -> tuple of Nones)
    emb = jnp.take(table, job_id, axis=0)
    # LayerNorm over last dim
    mean = jnp.mean(emb, axis=-1, keepdims=True)
    var = jnp.var(emb, axis=-1, keepdims=True)
    normed = (emb - mean) / jnp.sqrt(var + EPS)
    out = normed * gamma + beta
    # dropout is identity in eval mode
    return out

if __name__ == "__main__":
    import jax
    _d = setup_inputs()
    print(jax.jit(kernel)(*tuple(_d.values())))

</pallas_src>

<mosaic_0001>
#map = affine_map<(d0, d1) -> (0, 0)>
module attributes {stable_mosaic.version = 14 : i64} {
  func.func @gather_k(%arg0: i32, %arg1: i32, %arg2: memref<6400x128xi32, #tpu.memory_space<hbm>>, %arg3: memref<1000000x64xf32, #tpu.memory_space<hbm>>, %arg4: memref<819200x128xf32, #tpu.memory_space<hbm>>, %arg5: memref<2x4x128xi32, #tpu.memory_space<vmem>>, %arg6: memref<2x512x64xf32, #tpu.memory_space<vmem>>, %arg7: memref<!tpu.dma_semaphore, #tpu.memory_space<semaphore_mem>>, %arg8: memref<!tpu.dma_semaphore, #tpu.memory_space<semaphore_mem>>) attributes {dimension_semantics = [#tpu.dimension_semantics<core_parallel>, #tpu.dimension_semantics<subcore_parallel>], iteration_bounds = array<i64: 2, 16>, scalar_prefetch = 0 : i64, scratch_operands = 4 : i64, tpu.core_type = #tpu.core_type<sc_vector_subcore>, window_params = [{transform_indices = #map}, {transform_indices = #map}, {transform_indices = #map}]} {
    %mul3A = arith.constant 2 : i32
    %mul3A_0 = arith.muli %arg1, %mul3A : i32
    %add3A = arith.addi %mul3A_0, %arg0 : i32
    %mul3A_1 = arith.constant 50 : i32
    %mul3A_2 = arith.muli %add3A, %mul3A_1 : i32
    %add3A_3 = arith.constant 0 : i32
    %add3A_4 = arith.addi %mul3A_2, %add3A_3 : i32
    %mul3A_5 = arith.constant 4 : i32
    %mul3A_6 = arith.muli %add3A_4, %mul3A_5 : i32
    %run_scoped3A = arith.constant 0 : i32
    "tpu.region"() ({
      %run_scoped3A_178 = tpu.sem_alloc : memref<!tpu.dma_semaphore, #tpu.memory_space<semaphore_mem>>
      %dma_start3A_179 = arith.constant 0 : i32
      %dma_start3A_180 = arith.constant 0 : i32
      %dma_start3A_181 = tpu.memref_slice %arg5[%run_scoped3A, %dma_start3A_179, %dma_start3A_180] : memref<2x4x128xi32, #tpu.memory_space<vmem>> -> memref<1x4x128xi32, #tpu.memory_space<vmem>>
      %dma_start3A_182 = tpu.memref_squeeze %dma_start3A_181 : memref<1x4x128xi32, #tpu.memory_space<vmem>> -> memref<4x128xi32, #tpu.memory_space<vmem>>
      %dma_start3A_183 = arith.constant 0 : i32
      %dma_start3A_184 = tpu.memref_slice %arg2[%mul3A_6, %dma_start3A_183] : memref<6400x128xi32, #tpu.memory_space<hbm>> -> memref<4x128xi32, #tpu.memory_space<hbm>>
      %dma_start3A_185 = arith.constant 0 : i32
      %dma_start3A_186 = arith.constant 0 : i32
      %dma_start3A_187 = tpu.memref_slice %arg5[%run_scoped3A, %dma_start3A_185, %dma_start3A_186] : memref<2x4x128xi32, #tpu.memory_space<vmem>> -> memref<1x4x128xi32, #tpu.memory_space<vmem>>
      %dma_start3A_188 = tpu.memref_squeeze %dma_start3A_187 : memref<1x4x128xi32, #tpu.memory_space<vmem>> -> memref<4x128xi32, #tpu.memory_space<vmem>>
      %dma_start3A_189 = arith.constant 0 : i32
      %dma_start3A_190 = tpu.memref_slice %arg2[%mul3A_6, %dma_start3A_189] : memref<6400x128xi32, #tpu.memory_space<hbm>> -> memref<4x128xi32, #tpu.memory_space<hbm>>
      tpu.enqueue_dma source(%dma_start3A_190 : memref<4x128xi32, #tpu.memory_space<hbm>>) target(%dma_start3A_188 : memref<4x128xi32, #tpu.memory_space<vmem>>) target_semaphore(%run_scoped3A_178 : memref<!tpu.dma_semaphore, #tpu.memory_space<semaphore_mem>>)
      %dma_wait3A = arith.constant 0 : i32
      %dma_wait3A_191 = arith.constant 0 : i32
      %dma_wait3A_192 = tpu.memref_slice %arg5[%run_scoped3A, %dma_wait3A, %dma_wait3A_191] : memref<2x4x128xi32, #tpu.memory_space<vmem>> -> memref<1x4x128xi32, #tpu.memory_space<vmem>>
      %dma_wait3A_193 = tpu.memref_squeeze %dma_wait3A_192 : memref<1x4x128xi32, #tpu.memory_space<vmem>> -> memref<4x128xi32, #tpu.memory_space<vmem>>
      %dma_wait3A_194 = arith.constant 0 : i32
      %dma_wait3A_195 = tpu.memref_slice %arg2[%mul3A_6, %dma_wait3A_194] : memref<6400x128xi32, #tpu.memory_space<hbm>> -> memref<4x128xi32, #tpu.memory_space<hbm>>
      %dma_wait3A_196 = arith.constant 0 : i32
      %dma_wait3A_197 = arith.constant 0 : i32
      %dma_wait3A_198 = tpu.memref_slice %arg5[%run_scoped3A, %dma_wait3A_196, %dma_wait3A_197] : memref<2x4x128xi32, #tpu.memory_space<vmem>> -> memref<1x4x128xi32, #tpu.memory_space<vmem>>
      %dma_wait3A_199 = tpu.memref_squeeze %dma_wait3A_198 : memref<1x4x128xi32, #tpu.memory_space<vmem>> -> memref<4x128xi32, #tpu.memory_space<vmem>>
      %dma_wait3A_200 = arith.constant 0 : i32
      %dma_wait3A_201 = tpu.memref_slice %arg2[%mul3A_6, %dma_wait3A_200] : memref<6400x128xi32, #tpu.memory_space<hbm>> -> memref<4x128xi32, #tpu.memory_space<hbm>>
      tpu.wait_dma2 semaphore(%run_scoped3A_178 : memref<!tpu.dma_semaphore, #tpu.memory_space<semaphore_mem>>) src(%dma_wait3A_201 : memref<4x128xi32, #tpu.memory_space<hbm>>) dst(%dma_wait3A_199 : memref<4x128xi32, #tpu.memory_space<vmem>>)
      tpu.yield
    }) : () -> ()
    %dma_start3A = arith.constant 0 : i32
    %dma_start3A_7 = arith.constant 0 : i32
    %dma_start3A_8 = arith.constant 0 : i32
    %dma_start3A_9 = arith.constant 0 : i32
    %dma_start3A_10 = arith.constant 0 : i32
    %dma_start3A_11 = tpu.memref_slice %arg6[%dma_start3A_8, %dma_start3A_9, %dma_start3A_10] : memref<2x512x64xf32, #tpu.memory_space<vmem>> -> memref<1x512x64xf32, #tpu.memory_space<vmem>>
    %dma_start3A_12 = tpu.memref_squeeze %dma_start3A_11 : memref<1x512x64xf32, #tpu.memory_space<vmem>> -> memref<512x64xf32, #tpu.memory_space<vmem>>
    %dma_start3A_13 = arith.constant 0 : i32
    %dma_start3A_14 = arith.constant 0 : i32
    %dma_start3A_15 = tpu.memref_slice %dma_start3A_12[%dma_start3A_13, %dma_start3A_14] : memref<512x64xf32, #tpu.memory_space<vmem>> -> memref<128x64xf32, #tpu.memory_space<vmem>>
    %dma_start3A_16 = arith.constant 0 : i32
    %dma_start3A_17 = arith.constant 0 : i32
    %dma_start3A_18 = tpu.memref_slice %arg5[%dma_start3A, %dma_start3A_16, %dma_start3A_17] : memref<2x4x128xi32, #tpu.memory_space<vmem>> -> memref<1x4x128xi32, #tpu.memory_space<vmem>>
    %dma_start3A_19 = tpu.memref_squeeze %dma_start3A_18 : memref<1x4x128xi32, #tpu.memory_space<vmem>> -> memref<4x128xi32, #tpu.memory_space<vmem>>
    %dma_start3A_20 = arith.constant 0 : i32
    %dma_start3A_21 = tpu.memref_slice %dma_start3A_19[%dma_start3A_7, %dma_start3A_20] : memref<4x128xi32, #tpu.memory_space<vmem>> -> memref<1x128xi32, #tpu.memory_space<vmem>>
    %dma_start3A_22 = tpu.memref_squeeze %dma_start3A_21 : memref<1x128xi32, #tpu.memory_space<vmem>> -> memref<128xi32, #tpu.memory_space<vmem>>
    %dma_start3A_23 = arith.constant 0 : i32
    %dma_start3A_24 = arith.constant 0 : i32
    %dma_start3A_25 = tpu.memref_slice %arg3[%dma_start3A_23, %dma_start3A_24] : memref<1000000x64xf32, #tpu.memory_space<hbm>> -> memref<1000000x64xf32, #tpu.memory_space<hbm>>
    tpu.enqueue_indirect_dma source(%dma_start3A_25 : memref<1000000x64xf32, #tpu.memory_space<hbm>>) target(%dma_start3A_15 : memref<128x64xf32, #tpu.memory_space<vmem>>) offsets(%dma_start3A_22 : memref<128xi32, #tpu.memory_space<vmem>>) semaphore(%arg7 : memref<!tpu.dma_semaphore, #tpu.memory_space<semaphore_mem>>)
    %dma_start3A_26 = arith.constant 0 : i32
    %dma_start3A_27 = arith.constant 1 : i32
    %dma_start3A_28 = arith.constant 0 : i32
    %dma_start3A_29 = arith.constant 0 : i32
    %dma_start3A_30 = arith.constant 0 : i32
    %dma_start3A_31 = tpu.memref_slice %arg6[%dma_start3A_28, %dma_start3A_29, %dma_start3A_30] : memref<2x512x64xf32, #tpu.memory_space<vmem>> -> memref<1x512x64xf32, #tpu.memory_space<vmem>>
    %dma_start3A_32 = tpu.memref_squeeze %dma_start3A_31 : memref<1x512x64xf32, #tpu.memory_space<vmem>> -> memref<512x64xf32, #tpu.memory_space<vmem>>
    %dma_start3A_33 = arith.constant 128 : i32
    %dma_start3A_34 = arith.constant 0 : i32
    %dma_start3A_35 = tpu.memref_slice %dma_start3A_32[%dma_start3A_33, %dma_start3A_34] : memref<512x64xf32, #tpu.memory_space<vmem>> -> memref<128x64xf32, #tpu.memory_space<vmem>>
    %dma_start3A_36 = arith.constant 0 : i32
    %dma_start3A_37 = arith.constant 0 : i32
    %dma_start3A_38 = tpu.memref_slice %arg5[%dma_start3A_26, %dma_start3A_36, %dma_start3A_37] : memref<2x4x128xi32, #tpu.memory_space<vmem>> -> memref<1x4x128xi32, #tpu.memory_space<vmem>>
    %dma_start3A_39 = tpu.memref_squeeze %dma_start3A_38 : memref<1x4x128xi32, #tpu.memory_space<vmem>> -> memref<4x128xi32, #tpu.memory_space<vmem>>
    %dma_start3A_40 = arith.constant 0 : i32
    %dma_start3A_41 = tpu.memref_slice %dma_start3A_39[%dma_start3A_27, %dma_start3A_40] : memref<4x128xi32, #tpu.memory_space<vmem>> -> memref<1x128xi32, #tpu.memory_space<vmem>>
    %dma_start3A_42 = tpu.memref_squeeze %dma_start3A_41 : memref<1x128xi32, #tpu.memory_space<vmem>> -> memref<128xi32, #tpu.memory_space<vmem>>
    %dma_start3A_43 = arith.constant 0 : i32
    %dma_start3A_44 = arith.constant 0 : i32
    %dma_start3A_45 = tpu.memref_slice %arg3[%dma_start3A_43, %dma_start3A_44] : memref<1000000x64xf32, #tpu.memory_space<hbm>> -> memref<1000000x64xf32, #tpu.memory_space<hbm>>
    tpu.enqueue_indirect_dma source(%dma_start3A_45 : memref<1000000x64xf32, #tpu.memory_space<hbm>>) target(%dma_start3A_35 : memref<128x64xf32, #tpu.memory_space<vmem>>) offsets(%dma_start3A_42 : memref<128xi32, #tpu.memory_space<vmem>>) semaphore(%arg7 : memref<!tpu.dma_semaphore, #tpu.memory_space<semaphore_mem>>)
    %dma_start3A_46 = arith.constant 0 : i32
    %dma_start3A_47 = arith.constant 2 : i32
    %dma_start3A_48 = arith.constant 0 : i32
    %dma_start3A_49 = arith.constant 0 : i32
    %dma_start3A_50 = arith.constant 0 : i32
    %dma_start3A_51 = tpu.memref_slice %arg6[%dma_start3A_48, %dma_start3A_49, %dma_start3A_50] : memref<2x512x64xf32, #tpu.memory_space<vmem>> -> memref<1x512x64xf32, #tpu.memory_space<vmem>>
    %dma_start3A_52 = tpu.memref_squeeze %dma_start3A_51 : memref<1x512x64xf32, #tpu.memory_space<vmem>> -> memref<512x64xf32, #tpu.memory_space<vmem>>
    %dma_start3A_53 = arith.constant 256 : i32
    %dma_start3A_54 = arith.constant 0 : i32
    %dma_start3A_55 = tpu.memref_slice %dma_start3A_52[%dma_start3A_53, %dma_start3A_54] : memref<512x64xf32, #tpu.memory_space<vmem>> -> memref<128x64xf32, #tpu.memory_space<vmem>>
    %dma_start3A_56 = arith.constant 0 : i32
    %dma_start3A_57 = arith.constant 0 : i32
    %dma_start3A_58 = tpu.memref_slice %arg5[%dma_start3A_46, %dma_start3A_56, %dma_start3A_57] : memref<2x4x128xi32, #tpu.memory_space<vmem>> -> memref<1x4x128xi32, #tpu.memory_space<vmem>>
    %dma_start3A_59 = tpu.memref_squeeze %dma_start3A_58 : memref<1x4x128xi32, #tpu.memory_space<vmem>> -> memref<4x128xi32, #tpu.memory_space<vmem>>
    %dma_start3A_60 = arith.constant 0 : i32
    %dma_start3A_61 = tpu.memref_slice %dma_start3A_59[%dma_start3A_47, %dma_start3A_60] : memref<4x128xi32, #tpu.memory_space<vmem>> -> memref<1x128xi32, #tpu.memory_space<vmem>>
    %dma_start3A_62 = tpu.memref_squeeze %dma_start3A_61 : memref<1x128xi32, #tpu.memory_space<vmem>> -> memref<128xi32, #tpu.memory_space<vmem>>
    %dma_start3A_63 = arith.constant 0 : i32
    %dma_start3A_64 = arith.constant 0 : i32
    %dma_start3A_65 = tpu.memref_slice %arg3[%dma_start3A_63, %dma_start3A_64] : memref<1000000x64xf32, #tpu.memory_space<hbm>> -> memref<1000000x64xf32, #tpu.memory_space<hbm>>
    tpu.enqueue_indirect_dma source(%dma_start3A_65 : memref<1000000x64xf32, #tpu.memory_space<hbm>>) target(%dma_start3A_55 : memref<128x64xf32, #tpu.memory_space<vmem>>) offsets(%dma_start3A_62 : memref<128xi32, #tpu.memory_space<vmem>>) semaphore(%arg7 : memref<!tpu.dma_semaphore, #tpu.memory_space<semaphore_mem>>)
    %dma_start3A_66 = arith.constant 0 : i32
    %dma_start3A_67 = arith.constant 3 : i32
    %dma_start3A_68 = arith.constant 0 : i32
    %dma_start3A_69 = arith.constant 0 : i32
    %dma_start3A_70 = arith.constant 0 : i32
    %dma_start3A_71 = tpu.memref_slice %arg6[%dma_start3A_68, %dma_start3A_69, %dma_start3A_70] : memref<2x512x64xf32, #tpu.memory_space<vmem>> -> memref<1x512x64xf32, #tpu.memory_space<vmem>>
    %dma_start3A_72 = tpu.memref_squeeze %dma_start3A_71 : memref<1x512x64xf32, #tpu.memory_space<vmem>> -> memref<512x64xf32, #tpu.memory_space<vmem>>
    %dma_start3A_73 = arith.constant 384 : i32
    %dma_start3A_74 = arith.constant 0 : i32
    %dma_start3A_75 = tpu.memref_slice %dma_start3A_72[%dma_start3A_73, %dma_start3A_74] : memref<512x64xf32, #tpu.memory_space<vmem>> -> memref<128x64xf32, #tpu.memory_space<vmem>>
    %dma_start3A_76 = arith.constant 0 : i32
    %dma_start3A_77 = arith.constant 0 : i32
    %dma_start3A_78 = tpu.memref_slice %arg5[%dma_start3A_66, %dma_start3A_76, %dma_start3A_77] : memref<2x4x128xi32, #tpu.memory_space<vmem>> -> memref<1x4x128xi32, #tpu.memory_space<vmem>>
    %dma_start3A_79 = tpu.memref_squeeze %dma_start3A_78 : memref<1x4x128xi32, #tpu.memory_space<vmem>> -> memref<4x128xi32, #tpu.memory_space<vmem>>
    %dma_start3A_80 = arith.constant 0 : i32
    %dma_start3A_81 = tpu.memref_slice %dma_start3A_79[%dma_start3A_67, %dma_start3A_80] : memref<4x128xi32, #tpu.memory_space<vmem>> -> memref<1x128xi32, #tpu.memory_space<vmem>>
    %dma_start3A_82 = tpu.memref_squeeze %dma_start3A_81 : memref<1x128xi32, #tpu.memory_space<vmem>> -> memref<128xi32, #tpu.memory_space<vmem>>
    %dma_start3A_83 = arith.constant 0 : i32
    %dma_start3A_84 = arith.constant 0 : i32
    %dma_start3A_85 = tpu.memref_slice %arg3[%dma_start3A_83, %dma_start3A_84] : memref<1000000x64xf32, #tpu.memory_space<hbm>> -> memref<1000000x64xf32, #tpu.memory_space<hbm>>
    tpu.enqueue_indirect_dma source(%dma_start3A_85 : memref<1000000x64xf32, #tpu.memory_space<hbm>>) target(%dma_start3A_75 : memref<128x64xf32, #tpu.memory_space<vmem>>) offsets(%dma_start3A_82 : memref<128xi32, #tpu.memory_space<vmem>>) semaphore(%arg7 : memref<!tpu.dma_semaphore, #tpu.memory_space<semaphore_mem>>)
    %mul3A_86 = arith.constant 50 : i32
    %mul3A_87 = arith.muli %add3A, %mul3A_86 : i32
    %add3A_88 = arith.constant 1 : i32
    %add3A_89 = arith.addi %mul3A_87, %add3A_88 : i32
    %mul3A_90 = arith.constant 4 : i32
    %mul3A_91 = arith.muli %add3A_89, %mul3A_90 : i32
    %run_scoped3A_92 = arith.constant 1 : i32
    "tpu.region"() ({
      %run_scoped3A_178 = tpu.sem_alloc : memref<!tpu.dma_semaphore, #tpu.memory_space<semaphore_mem>>
      %dma_start3A_179 = arith.constant 0 : i32
      %dma_start3A_180 = arith.constant 0 : i32
      %dma_start3A_181 = tpu.memref_slice %arg5[%run_scoped3A_92, %dma_start3A_179, %dma_start3A_180] : memref<2x4x128xi32, #tpu.memory_space<vmem>> -> memref<1x4x128xi32, #tpu.memory_space<vmem>>
      %dma_start3A_182 = tpu.memref_squeeze %dma_start3A_181 : memref<1x4x128xi32, #tpu.memory_space<vmem>> -> memref<4x128xi32, #tpu.memory_space<vmem>>
      %dma_start3A_183 = arith.constant 0 : i32
      %dma_start3A_184 = tpu.memref_slice %arg2[%mul3A_91, %dma_start3A_183] : memref<6400x128xi32, #tpu.memory_space<hbm>> -> memref<4x128xi32, #tpu.memory_space<hbm>>
      %dma_start3A_185 = arith.constant 0 : i32
      %dma_start3A_186 = arith.constant 0 : i32
      %dma_start3A_187 = tpu.memref_slice %arg5[%run_scoped3A_92, %dma_start3A_185, %dma_start3A_186] : memref<2x4x128xi32, #tpu.memory_space<vmem>> -> memref<1x4x128xi32, #tpu.memory_space<vmem>>
      %dma_start3A_188 = tpu.memref_squeeze %dma_start3A_187 : memref<1x4x128xi32, #tpu.memory_space<vmem>> -> memref<4x128xi32, #tpu.memory_space<vmem>>
      %dma_start3A_189 = arith.constant 0 : i32
      %dma_start3A_190 = tpu.memref_slice %arg2[%mul3A_91, %dma_start3A_189] : memref<6400x128xi32, #tpu.memory_space<hbm>> -> memref<4x128xi32, #tpu.memory_space<hbm>>
      tpu.enqueue_dma source(%dma_start3A_190 : memref<4x128xi32, #tpu.memory_space<hbm>>) target(%dma_start3A_188 : memref<4x128xi32, #tpu.memory_space<vmem>>) target_semaphore(%run_scoped3A_178 : memref<!tpu.dma_semaphore, #tpu.memory_space<semaphore_mem>>)
      %dma_wait3A = arith.constant 0 : i32
      %dma_wait3A_191 = arith.constant 0 : i32
      %dma_wait3A_192 = tpu.memref_slice %arg5[%run_scoped3A_92, %dma_wait3A, %dma_wait3A_191] : memref<2x4x128xi32, #tpu.memory_space<vmem>> -> memref<1x4x128xi32, #tpu.memory_space<vmem>>
      %dma_wait3A_193 = tpu.memref_squeeze %dma_wait3A_192 : memref<1x4x128xi32, #tpu.memory_space<vmem>> -> memref<4x128xi32, #tpu.memory_space<vmem>>
      %dma_wait3A_194 = arith.constant 0 : i32
      %dma_wait3A_195 = tpu.memref_slice %arg2[%mul3A_91, %dma_wait3A_194] : memref<6400x128xi32, #tpu.memory_space<hbm>> -> memref<4x128xi32, #tpu.memory_space<hbm>>
      %dma_wait3A_196 = arith.constant 0 : i32
      %dma_wait3A_197 = arith.constant 0 : i32
      %dma_wait3A_198 = tpu.memref_slice %arg5[%run_scoped3A_92, %dma_wait3A_196, %dma_wait3A_197] : memref<2x4x128xi32, #tpu.memory_space<vmem>> -> memref<1x4x128xi32, #tpu.memory_space<vmem>>
      %dma_wait3A_199 = tpu.memref_squeeze %dma_wait3A_198 : memref<1x4x128xi32, #tpu.memory_space<vmem>> -> memref<4x128xi32, #tpu.memory_space<vmem>>
      %dma_wait3A_200 = arith.constant 0 : i32
      %dma_wait3A_201 = tpu.memref_slice %arg2[%mul3A_91, %dma_wait3A_200] : memref<6400x128xi32, #tpu.memory_space<hbm>> -> memref<4x128xi32, #tpu.memory_space<hbm>>
      tpu.wait_dma2 semaphore(%run_scoped3A_178 : memref<!tpu.dma_semaphore, #tpu.memory_space<semaphore_mem>>) src(%dma_wait3A_201 : memref<4x128xi32, #tpu.memory_space<hbm>>) dst(%dma_wait3A_199 : memref<4x128xi32, #tpu.memory_space<vmem>>)
      tpu.yield
    }) : () -> ()
    %dma_start3A_93 = arith.constant 1 : i32
    %dma_start3A_94 = arith.constant 0 : i32
    %dma_start3A_95 = arith.constant 1 : i32
    %dma_start3A_96 = arith.constant 0 : i32
    %dma_start3A_97 = arith.constant 0 : i32
    %dma_start3A_98 = tpu.memref_slice %arg6[%dma_start3A_95, %dma_start3A_96, %dma_start3A_97] : memref<2x512x64xf32, #tpu.memory_space<vmem>> -> memref<1x512x64xf32, #tpu.memory_space<vmem>>
    %dma_start3A_99 = tpu.memref_squeeze %dma_start3A_98 : memref<1x512x64xf32, #tpu.memory_space<vmem>> -> memref<512x64xf32, #tpu.memory_space<vmem>>
    %dma_start3A_100 = arith.constant 0 : i32
    %dma_start3A_101 = arith.constant 0 : i32
    %dma_start3A_102 = tpu.memref_slice %dma_start3A_99[%dma_start3A_100, %dma_start3A_101] : memref<512x64xf32, #tpu.memory_space<vmem>> -> memref<128x64xf32, #tpu.memory_space<vmem>>
    %dma_start3A_103 = arith.constant 0 : i32
    %dma_start3A_104 = arith.constant 0 : i32
    %dma_start3A_105 = tpu.memref_slice %arg5[%dma_start3A_93, %dma_start3A_103, %dma_start3A_104] : memref<2x4x128xi32, #tpu.memory_space<vmem>> -> memref<1x4x128xi32, #tpu.memory_space<vmem>>
    %dma_start3A_106 = tpu.memref_squeeze %dma_start3A_105 : memref<1x4x128xi32, #tpu.memory_space<vmem>> -> memref<4x128xi32, #tpu.memory_space<vmem>>
    %dma_start3A_107 = arith.constant 0 : i32
    %dma_start3A_108 = tpu.memref_slice %dma_start3A_106[%dma_start3A_94, %dma_start3A_107] : memref<4x128xi32, #tpu.memory_space<vmem>> -> memref<1x128xi32, #tpu.memory_space<vmem>>
    %dma_start3A_109 = tpu.memref_squeeze %dma_start3A_108 : memref<1x128xi32, #tpu.memory_space<vmem>> -> memref<128xi32, #tpu.memory_space<vmem>>
    %dma_start3A_110 = arith.constant 0 : i32
    %dma_start3A_111 = arith.constant 0 : i32
    %dma_start3A_112 = tpu.memref_slice %arg3[%dma_start3A_110, %dma_start3A_111] : memref<1000000x64xf32, #tpu.memory_space<hbm>> -> memref<1000000x64xf32, #tpu.memory_space<hbm>>
    tpu.enqueue_indirect_dma source(%dma_start3A_112 : memref<1000000x64xf32, #tpu.memory_space<hbm>>) target(%dma_start3A_102 : memref<128x64xf32, #tpu.memory_space<vmem>>) offsets(%dma_start3A_109 : memref<128xi32, #tpu.memory_space<vmem>>) semaphore(%arg8 : memref<!tpu.dma_semaphore, #tpu.memory_space<semaphore_mem>>)
    %dma_start3A_113 = arith.constant 1 : i32
    %dma_start3A_114 = arith.constant 1 : i32
    %dma_start3A_115 = arith.constant 1 : i32
    %dma_start3A_116 = arith.constant 0 : i32
    %dma_start3A_117 = arith.constant 0 : i32
    %dma_start3A_118 = tpu.memref_slice %arg6[%dma_start3A_115, %dma_start3A_116, %dma_start3A_117] : memref<2x512x64xf32, #tpu.memory_space<vmem>> -> memref<1x512x64xf32, #tpu.memory_space<vmem>>
    %dma_start3A_119 = tpu.memref_squeeze %dma_start3A_118 : memref<1x512x64xf32, #tpu.memory_space<vmem>> -> memref<512x64xf32, #tpu.memory_space<vmem>>
    %dma_start3A_120 = arith.constant 128 : i32
    %dma_start3A_121 = arith.constant 0 : i32
    %dma_start3A_122 = tpu.memref_slice %dma_start3A_119[%dma_start3A_120, %dma_start3A_121] : memref<512x64xf32, #tpu.memory_space<vmem>> -> memref<128x64xf32, #tpu.memory_space<vmem>>
    %dma_start3A_123 = arith.constant 0 : i32
    %dma_start3A_124 = arith.constant 0 : i32
    %dma_start3A_125 = tpu.memref_slice %arg5[%dma_start3A_113, %dma_start3A_123, %dma_start3A_124] : memref<2x4x128xi32, #tpu.memory_space<vmem>> -> memref<1x4x128xi32, #tpu.memory_space<vmem>>
    %dma_start3A_126 = tpu.memref_squeeze %dma_start3A_125 : memref<1x4x128xi32, #tpu.memory_space<vmem>> -> memref<4x128xi32, #tpu.memory_space<vmem>>
    %dma_start3A_127 = arith.constant 0 : i32
    %dma_start3A_128 = tpu.memref_slice %dma_start3A_126[%dma_start3A_114, %dma_start3A_127] : memref<4x128xi32, #tpu.memory_space<vmem>> -> memref<1x128xi32, #tpu.memory_space<vmem>>
    %dma_start3A_129 = tpu.memref_squeeze %dma_start3A_128 : memref<1x128xi32, #tpu.memory_space<vmem>> -> memref<128xi32, #tpu.memory_space<vmem>>
    %dma_start3A_130 = arith.constant 0 : i32
    %dma_start3A_131 = arith.constant 0 : i32
    %dma_start3A_132 = tpu.memref_slice %arg3[%dma_start3A_130, %dma_start3A_131] : memref<1000000x64xf32, #tpu.memory_space<hbm>> -> memref<1000000x64xf32, #tpu.memory_space<hbm>>
    tpu.enqueue_indirect_dma source(%dma_start3A_132 : memref<1000000x64xf32, #tpu.memory_space<hbm>>) target(%dma_start3A_122 : memref<128x64xf32, #tpu.memory_space<vmem>>) offsets(%dma_start3A_129 : memref<128xi32, #tpu.memory_space<vmem>>) semaphore(%arg8 : memref<!tpu.dma_semaphore, #tpu.memory_space<semaphore_mem>>)
    %dma_start3A_133 = arith.constant 1 : i32
    %dma_start3A_134 = arith.constant 2 : i32
    %dma_start3A_135 = arith.constant 1 : i32
    %dma_start3A_136 = arith.constant 0 : i32
    %dma_start3A_137 = arith.constant 0 : i32
    %dma_start3A_138 = tpu.memref_slice %arg6[%dma_start3A_135, %dma_start3A_136, %dma_start3A_137] : memref<2x512x64xf32, #tpu.memory_space<vmem>> -> memref<1x512x64xf32, #tpu.memory_space<vmem>>
    %dma_start3A_139 = tpu.memref_squeeze %dma_start3A_138 : memref<1x512x64xf32, #tpu.memory_space<vmem>> -> memref<512x64xf32, #tpu.memory_space<vmem>>
    %dma_start3A_140 = arith.constant 256 : i32
    %dma_start3A_141 = arith.constant 0 : i32
    %dma_start3A_142 = tpu.memref_slice %dma_start3A_139[%dma_start3A_140, %dma_start3A_141] : memref<512x64xf32, #tpu.memory_space<vmem>> -> memref<128x64xf32, #tpu.memory_space<vmem>>
    %dma_start3A_143 = arith.constant 0 : i32
    %dma_start3A_144 = arith.constant 0 : i32
    %dma_start3A_145 = tpu.memref_slice %arg5[%dma_start3A_133, %dma_start3A_143, %dma_start3A_144] : memref<2x4x128xi32, #tpu.memory_space<vmem>> -> memref<1x4x128xi32, #tpu.memory_space<vmem>>
    %dma_start3A_146 = tpu.memref_squeeze %dma_start3A_145 : memref<1x4x128xi32, #tpu.memory_space<vmem>> -> memref<4x128xi32, #tpu.memory_space<vmem>>
    %dma_start3A_147 = arith.constant 0 : i32
    %dma_start3A_148 = tpu.memref_slice %dma_start3A_146[%dma_start3A_134, %dma_start3A_147] : memref<4x128xi32, #tpu.memory_space<vmem>> -> memref<1x128xi32, #tpu.memory_space<vmem>>
    %dma_start3A_149 = tpu.memref_squeeze %dma_start3A_148 : memref<1x128xi32, #tpu.memory_space<vmem>> -> memref<128xi32, #tpu.memory_space<vmem>>
    %dma_start3A_150 = arith.constant 0 : i32
    %dma_start3A_151 = arith.constant 0 : i32
    %dma_start3A_152 = tpu.memref_slice %arg3[%dma_start3A_150, %dma_start3A_151] : memref<1000000x64xf32, #tpu.memory_space<hbm>> -> memref<1000000x64xf32, #tpu.memory_space<hbm>>
    tpu.enqueue_indirect_dma source(%dma_start3A_152 : memref<1000000x64xf32, #tpu.memory_space<hbm>>) target(%dma_start3A_142 : memref<128x64xf32, #tpu.memory_space<vmem>>) offsets(%dma_start3A_149 : memref<128xi32, #tpu.memory_space<vmem>>) semaphore(%arg8 : memref<!tpu.dma_semaphore, #tpu.memory_space<semaphore_mem>>)
    %dma_start3A_153 = arith.constant 1 : i32
    %dma_start3A_154 = arith.constant 3 : i32
    %dma_start3A_155 = arith.constant 1 : i32
    %dma_start3A_156 = arith.constant 0 : i32
    %dma_start3A_157 = arith.constant 0 : i32
    %dma_start3A_158 = tpu.memref_slice %arg6[%dma_start3A_155, %dma_start3A_156, %dma_start3A_157] : memref<2x512x64xf32, #tpu.memory_space<vmem>> -> memref<1x512x64xf32, #tpu.memory_space<vmem>>
    %dma_start3A_159 = tpu.memref_squeeze %dma_start3A_158 : memref<1x512x64xf32, #tpu.memory_space<vmem>> -> memref<512x64xf32, #tpu.memory_space<vmem>>
    %dma_start3A_160 = arith.constant 384 : i32
    %dma_start3A_161 = arith.constant 0 : i32
    %dma_start3A_162 = tpu.memref_slice %dma_start3A_159[%dma_start3A_160, %dma_start3A_161] : memref<512x64xf32, #tpu.memory_space<vmem>> -> memref<128x64xf32, #tpu.memory_space<vmem>>
    %dma_start3A_163 = arith.constant 0 : i32
    %dma_start3A_164 = arith.constant 0 : i32
    %dma_start3A_165 = tpu.memref_slice %arg5[%dma_start3A_153, %dma_start3A_163, %dma_start3A_164] : memref<2x4x128xi32, #tpu.memory_space<vmem>> -> memref<1x4x128xi32, #tpu.memory_space<vmem>>
    %dma_start3A_166 = tpu.memref_squeeze %dma_start3A_165 : memref<1x4x128xi32, #tpu.memory_space<vmem>> -> memref<4x128xi32, #tpu.memory_space<vmem>>
    %dma_start3A_167 = arith.constant 0 : i32
    %dma_start3A_168 = tpu.memref_slice %dma_start3A_166[%dma_start3A_154, %dma_start3A_167] : memref<4x128xi32, #tpu.memory_space<vmem>> -> memref<1x128xi32, #tpu.memory_space<vmem>>
    %dma_start3A_169 = tpu.memref_squeeze %dma_start3A_168 : memref<1x128xi32, #tpu.memory_space<vmem>> -> memref<128xi32, #tpu.memory_space<vmem>>
    %dma_start3A_170 = arith.constant 0 : i32
    %dma_start3A_171 = arith.constant 0 : i32
    %dma_start3A_172 = tpu.memref_slice %arg3[%dma_start3A_170, %dma_start3A_171] : memref<1000000x64xf32, #tpu.memory_space<hbm>> -> memref<1000000x64xf32, #tpu.memory_space<hbm>>
    tpu.enqueue_indirect_dma source(%dma_start3A_172 : memref<1000000x64xf32, #tpu.memory_space<hbm>>) target(%dma_start3A_162 : memref<128x64xf32, #tpu.memory_space<vmem>>) offsets(%dma_start3A_169 : memref<128xi32, #tpu.memory_space<vmem>>) semaphore(%arg8 : memref<!tpu.dma_semaphore, #tpu.memory_space<semaphore_mem>>)
    %scan3A = arith.constant 0 : i32
    %scan3A_173 = arith.constant 0 : i32
    %scan3A_174 = arith.constant 25 : i32
    %scan3A_175 = arith.addi %scan3A_173, %scan3A_174 : i32
    %scan3A_176 = arith.constant 1 : i32
    scf.for %scan3A_178 = %scan3A_173 to %scan3A_175 step %scan3A_176  : i32 {
      %mul3A_179 = arith.constant 2 : i32
      %mul3A_180 = arith.muli %mul3A_179, %scan3A_178 : i32
      %add3A_181 = arith.constant 0 : i32
      %add3A_182 = arith.addi %mul3A_180, %add3A_181 : i32
      %dma_wait3A = arith.constant 0 : i32
      %dma_wait3A_183 = arith.constant 0 : i32
      %dma_wait3A_184 = arith.constant 0 : i32
      %dma_wait3A_185 = arith.constant 0 : i32
      %dma_wait3A_186 = arith.constant 0 : i32
      %dma_wait3A_187 = tpu.memref_slice %arg6[%dma_wait3A_184, %dma_wait3A_185, %dma_wait3A_186] : memref<2x512x64xf32, #tpu.memory_space<vmem>> -> memref<1x512x64xf32, #tpu.memory_space<vmem>>
      %dma_wait3A_188 = tpu.memref_squeeze %dma_wait3A_187 : memref<1x512x64xf32, #tpu.memory_space<vmem>> -> memref<512x64xf32, #tpu.memory_space<vmem>>
      %dma_wait3A_189 = arith.constant 0 : i32
      %dma_wait3A_190 = arith.constant 0 : i32
      %dma_wait3A_191 = tpu.memref_slice %dma_wait3A_188[%dma_wait3A_189, %dma_wait3A_190] : memref<512x64xf32, #tpu.memory_space<vmem>> -> memref<128x64xf32, #tpu.memory_space<vmem>>
      %dma_wait3A_192 = arith.constant 0 : i32
      %dma_wait3A_193 = arith.constant 0 : i32
      %dma_wait3A_194 = tpu.memref_slice %arg5[%dma_wait3A, %dma_wait3A_192, %dma_wait3A_193] : memref<2x4x128xi32, #tpu.memory_space<vmem>> -> memref<1x4x128xi32, #tpu.memory_space<vmem>>
      %dma_wait3A_195 = tpu.memref_squeeze %dma_wait3A_194 : memref<1x4x128xi32, #tpu.memory_space<vmem>> -> memref<4x128xi32, #tpu.memory_space<vmem>>
      %dma_wait3A_196 = arith.constant 0 : i32
      %dma_wait3A_197 = tpu.memref_slice %dma_wait3A_195[%dma_wait3A_183, %dma_wait3A_196] : memref<4x128xi32, #tpu.memory_space<vmem>> -> memref<1x128xi32, #tpu.memory_space<vmem>>
      %dma_wait3A_198 = tpu.memref_squeeze %dma_wait3A_197 : memref<1x128xi32, #tpu.memory_space<vmem>> -> memref<128xi32, #tpu.memory_space<vmem>>
      %dma_wait3A_199 = arith.constant 0 : i32
      %dma_wait3A_200 = arith.constant 0 : i32
      %dma_wait3A_201 = tpu.memref_slice %arg3[%dma_wait3A_199, %dma_wait3A_200] : memref<1000000x64xf32, #tpu.memory_space<hbm>> -> memref<1000000x64xf32, #tpu.memory_space<hbm>>
      tpu.wait_indirect_dma semaphore(%arg7 : memref<!tpu.dma_semaphore, #tpu.memory_space<semaphore_mem>>) src(%dma_wait3A_201 : memref<1000000x64xf32, #tpu.memory_space<hbm>>) dst(%dma_wait3A_191 : memref<128x64xf32, #tpu.memory_space<vmem>>)
      %dma_wait3A_202 = arith.constant 0 : i32
      %dma_wait3A_203 = arith.constant 1 : i32
      %dma_wait3A_204 = arith.constant 0 : i32
      %dma_wait3A_205 = arith.constant 0 : i32
      %dma_wait3A_206 = arith.constant 0 : i32
      %dma_wait3A_207 = tpu.memref_slice %arg6[%dma_wait3A_204, %dma_wait3A_205, %dma_wait3A_206] : memref<2x512x64xf32, #tpu.memory_space<vmem>> -> memref<1x512x64xf32, #tpu.memory_space<vmem>>
      %dma_wait3A_208 = tpu.memref_squeeze %dma_wait3A_207 : memref<1x512x64xf32, #tpu.memory_space<vmem>> -> memref<512x64xf32, #tpu.memory_space<vmem>>
      %dma_wait3A_209 = arith.constant 128 : i32
      %dma_wait3A_210 = arith.constant 0 : i32
      %dma_wait3A_211 = tpu.memref_slice %dma_wait3A_208[%dma_wait3A_209, %dma_wait3A_210] : memref<512x64xf32, #tpu.memory_space<vmem>> -> memref<128x64xf32, #tpu.memory_space<vmem>>
      %dma_wait3A_212 = arith.constant 0 : i32
      %dma_wait3A_213 = arith.constant 0 : i32
      %dma_wait3A_214 = tpu.memref_slice %arg5[%dma_wait3A_202, %dma_wait3A_212, %dma_wait3A_213] : memref<2x4x128xi32, #tpu.memory_space<vmem>> -> memref<1x4x128xi32, #tpu.memory_space<vmem>>
      %dma_wait3A_215 = tpu.memref_squeeze %dma_wait3A_214 : memref<1x4x128xi32, #tpu.memory_space<vmem>> -> memref<4x128xi32, #tpu.memory_space<vmem>>
      %dma_wait3A_216 = arith.constant 0 : i32
      %dma_wait3A_217 = tpu.memref_slice %dma_wait3A_215[%dma_wait3A_203, %dma_wait3A_216] : memref<4x128xi32, #tpu.memory_space<vmem>> -> memref<1x128xi32, #tpu.memory_space<vmem>>
      %dma_wait3A_218 = tpu.memref_squeeze %dma_wait3A_217 : memref<1x128xi32, #tpu.memory_space<vmem>> -> memref<128xi32, #tpu.memory_space<vmem>>
      %dma_wait3A_219 = arith.constant 0 : i32
      %dma_wait3A_220 = arith.constant 0 : i32
      %dma_wait3A_221 = tpu.memref_slice %arg3[%dma_wait3A_219, %dma_wait3A_220] : memref<1000000x64xf32, #tpu.memory_space<hbm>> -> memref<1000000x64xf32, #tpu.memory_space<hbm>>
      tpu.wait_indirect_dma semaphore(%arg7 : memref<!tpu.dma_semaphore, #tpu.memory_space<semaphore_mem>>) src(%dma_wait3A_221 : memref<1000000x64xf32, #tpu.memory_space<hbm>>) dst(%dma_wait3A_211 : memref<128x64xf32, #tpu.memory_space<vmem>>)
      %dma_wait3A_222 = arith.constant 0 : i32
      %dma_wait3A_223 = arith.constant 2 : i32
      %dma_wait3A_224 = arith.constant 0 : i32
      %dma_wait3A_225 = arith.constant 0 : i32
      %dma_wait3A_226 = arith.constant 0 : i32
      %dma_wait3A_227 = tpu.memref_slice %arg6[%dma_wait3A_224, %dma_wait3A_225, %dma_wait3A_226] : memref<2x512x64xf32, #tpu.memory_space<vmem>> -> memref<1x512x64xf32, #tpu.memory_space<vmem>>
      %dma_wait3A_228 = tpu.memref_squeeze %dma_wait3A_227 : memref<1x512x64xf32, #tpu.memory_space<vmem>> -> memref<512x64xf32, #tpu.memory_space<vmem>>
      %dma_wait3A_229 = arith.constant 256 : i32
      %dma_wait3A_230 = arith.constant 0 : i32
      %dma_wait3A_231 = tpu.memref_slice %dma_wait3A_228[%dma_wait3A_229, %dma_wait3A_230] : memref<512x64xf32, #tpu.memory_space<vmem>> -> memref<128x64xf32, #tpu.memory_space<vmem>>
      %dma_wait3A_232 = arith.constant 0 : i32
      %dma_wait3A_233 = arith.constant 0 : i32
      %dma_wait3A_234 = tpu.memref_slice %arg5[%dma_wait3A_222, %dma_wait3A_232, %dma_wait3A_233] : memref<2x4x128xi32, #tpu.memory_space<vmem>> -> memref<1x4x128xi32, #tpu.memory_space<vmem>>
      %dma_wait3A_235 = tpu.memref_squeeze %dma_wait3A_234 : memref<1x4x128xi32, #tpu.memory_space<vmem>> -> memref<4x128xi32, #tpu.memory_space<vmem>>
      %dma_wait3A_236 = arith.constant 0 : i32
      %dma_wait3A_237 = tpu.memref_slice %dma_wait3A_235[%dma_wait3A_223, %dma_wait3A_236] : memref<4x128xi32, #tpu.memory_space<vmem>> -> memref<1x128xi32, #tpu.memory_space<vmem>>
      %dma_wait3A_238 = tpu.memref_squeeze %dma_wait3A_237 : memref<1x128xi32, #tpu.memory_space<vmem>> -> memref<128xi32, #tpu.memory_space<vmem>>
      %dma_wait3A_239 = arith.constant 0 : i32
      %dma_wait3A_240 = arith.constant 0 : i32
      %dma_wait3A_241 = tpu.memref_slice %arg3[%dma_wait3A_239, %dma_wait3A_240] : memref<1000000x64xf32, #tpu.memory_space<hbm>> -> memref<1000000x64xf32, #tpu.memory_space<hbm>>
      tpu.wait_indirect_dma semaphore(%arg7 : memref<!tpu.dma_semaphore, #tpu.memory_space<semaphore_mem>>) src(%dma_wait3A_241 : memref<1000000x64xf32, #tpu.memory_space<hbm>>) dst(%dma_wait3A_231 : memref<128x64xf32, #tpu.memory_space<vmem>>)
      %dma_wait3A_242 = arith.constant 0 : i32
      %dma_wait3A_243 = arith.constant 3 : i32
      %dma_wait3A_244 = arith.constant 0 : i32
      %dma_wait3A_245 = arith.constant 0 : i32
      %dma_wait3A_246 = arith.constant 0 : i32
      %dma_wait3A_247 = tpu.memref_slice %arg6[%dma_wait3A_244, %dma_wait3A_245, %dma_wait3A_246] : memref<2x512x64xf32, #tpu.memory_space<vmem>> -> memref<1x512x64xf32, #tpu.memory_space<vmem>>
      %dma_wait3A_248 = tpu.memref_squeeze %dma_wait3A_247 : memref<1x512x64xf32, #tpu.memory_space<vmem>> -> memref<512x64xf32, #tpu.memory_space<vmem>>
      %dma_wait3A_249 = arith.constant 384 : i32
      %dma_wait3A_250 = arith.constant 0 : i32
      %dma_wait3A_251 = tpu.memref_slice %dma_wait3A_248[%dma_wait3A_249, %dma_wait3A_250] : memref<512x64xf32, #tpu.memory_space<vmem>> -> memref<128x64xf32, #tpu.memory_space<vmem>>
      %dma_wait3A_252 = arith.constant 0 : i32
      %dma_wait3A_253 = arith.constant 0 : i32
      %dma_wait3A_254 = tpu.memref_slice %arg5[%dma_wait3A_242, %dma_wait3A_252, %dma_wait3A_253] : memref<2x4x128xi32, #tpu.memory_space<vmem>> -> memref<1x4x128xi32, #tpu.memory_space<vmem>>
      %dma_wait3A_255 = tpu.memref_squeeze %dma_wait3A_254 : memref<1x4x128xi32, #tpu.memory_space<vmem>> -> memref<4x128xi32, #tpu.memory_space<vmem>>
      %dma_wait3A_256 = arith.constant 0 : i32
      %dma_wait3A_257 = tpu.memref_slice %dma_wait3A_255[%dma_wait3A_243, %dma_wait3A_256] : memref<4x128xi32, #tpu.memory_space<vmem>> -> memref<1x128xi32, #tpu.memory_space<vmem>>
      %dma_wait3A_258 = tpu.memref_squeeze %dma_wait3A_257 : memref<1x128xi32, #tpu.memory_space<vmem>> -> memref<128xi32, #tpu.memory_space<vmem>>
      %dma_wait3A_259 = arith.constant 0 : i32
      %dma_wait3A_260 = arith.constant 0 : i32
      %dma_wait3A_261 = tpu.memref_slice %arg3[%dma_wait3A_259, %dma_wait3A_260] : memref<1000000x64xf32, #tpu.memory_space<hbm>> -> memref<1000000x64xf32, #tpu.memory_space<hbm>>
      tpu.wait_indirect_dma semaphore(%arg7 : memref<!tpu.dma_semaphore, #tpu.memory_space<semaphore_mem>>) src(%dma_wait3A_261 : memref<1000000x64xf32, #tpu.memory_space<hbm>>) dst(%dma_wait3A_251 : memref<128x64xf32, #tpu.memory_space<vmem>>)
      %mul3A_262 = arith.constant 50 : i32
      %mul3A_263 = arith.muli %add3A, %mul3A_262 : i32
      %add3A_264 = arith.addi %mul3A_263, %add3A_182 : i32
      %mul3A_265 = arith.constant 512 : i32
      %mul3A_266 = arith.muli %add3A_264, %mul3A_265 : i32
      %run_scoped3A_267 = arith.constant 0 : i32
      "tpu.region"() ({
        %run_scoped3A_369 = tpu.sem_alloc : memref<!tpu.dma_semaphore, #tpu.memory_space<semaphore_mem>>
        %dma_start3A_370 = arith.constant 0 : i32
        %dma_start3A_371 = arith.constant 0 : i32
        %dma_start3A_372 = tpu.memref_slice %arg6[%run_scoped3A_267, %dma_start3A_370, %dma_start3A_371] : memref<2x512x64xf32, #tpu.memory_space<vmem>> -> memref<1x512x64xf32, #tpu.memory_space<vmem>>
        %dma_start3A_373 = tpu.memref_squeeze %dma_start3A_372 : memref<1x512x64xf32, #tpu.memory_space<vmem>> -> memref<512x64xf32, #tpu.memory_space<vmem>>
        %dma_start3A_374 = arith.constant 0 : i32
        %dma_start3A_375 = tpu.memref_slice %arg4[%mul3A_266, %dma_start3A_374] : memref<819200x128xf32, #tpu.memory_space<hbm>> -> memref<512x64xf32, #tpu.memory_space<hbm>>
        %dma_start3A_376 = arith.constant 0 : i32
        %dma_start3A_377 = tpu.memref_slice %arg4[%mul3A_266, %dma_start3A_376] : memref<819200x128xf32, #tpu.memory_space<hbm>> -> memref<512x64xf32, #tpu.memory_space<hbm>>
        %dma_start3A_378 = arith.constant 0 : i32
        %dma_start3A_379 = arith.constant 0 : i32
        %dma_start3A_380 = tpu.memref_slice %arg6[%run_scoped3A_267, %dma_start3A_378, %dma_start3A_379] : memref<2x512x64xf32, #tpu.memory_space<vmem>> -> memref<1x512x64xf32, #tpu.memory_space<vmem>>
        %dma_start3A_381 = tpu.memref_squeeze %dma_start3A_380 : memref<1x512x64xf32, #tpu.memory_space<vmem>> -> memref<512x64xf32, #tpu.memory_space<vmem>>
        tpu.enqueue_dma source(%dma_start3A_381 : memref<512x64xf32, #tpu.memory_space<vmem>>) target(%dma_start3A_377 : memref<512x64xf32, #tpu.memory_space<hbm>>) target_semaphore(%run_scoped3A_369 : memref<!tpu.dma_semaphore, #tpu.memory_space<semaphore_mem>>)
        %dma_wait3A_382 = arith.constant 0 : i32
        %dma_wait3A_383 = arith.constant 0 : i32
        %dma_wait3A_384 = tpu.memref_slice %arg6[%run_scoped3A_267, %dma_wait3A_382, %dma_wait3A_383] : memref<2x512x64xf32, #tpu.memory_space<vmem>> -> memref<1x512x64xf32, #tpu.memory_space<vmem>>
        %dma_wait3A_385 = tpu.memref_squeeze %dma_wait3A_384 : memref<1x512x64xf32, #tpu.memory_space<vmem>> -> memref<512x64xf32, #tpu.memory_space<vmem>>
        %dma_wait3A_386 = arith.constant 0 : i32
        %dma_wait3A_387 = tpu.memref_slice %arg4[%mul3A_266, %dma_wait3A_386] : memref<819200x128xf32, #tpu.memory_space<hbm>> -> memref<512x64xf32, #tpu.memory_space<hbm>>
        %dma_wait3A_388 = arith.constant 0 : i32
        %dma_wait3A_389 = tpu.memref_slice %arg4[%mul3A_266, %dma_wait3A_388] : memref<819200x128xf32, #tpu.memory_space<hbm>> -> memref<512x64xf32, #tpu.memory_space<hbm>>
        %dma_wait3A_390 = arith.constant 0 : i32
        %dma_wait3A_391 = arith.constant 0 : i32
        %dma_wait3A_392 = tpu.memref_slice %arg6[%run_scoped3A_267, %dma_wait3A_390, %dma_wait3A_391] : memref<2x512x64xf32, #tpu.memory_space<vmem>> -> memref<1x512x64xf32, #tpu.memory_space<vmem>>
        %dma_wait3A_393 = tpu.memref_squeeze %dma_wait3A_392 : memref<1x512x64xf32, #tpu.memory_space<vmem>> -> memref<512x64xf32, #tpu.memory_space<vmem>>
        tpu.wait_dma2 semaphore(%run_scoped3A_369 : memref<!tpu.dma_semaphore, #tpu.memory_space<semaphore_mem>>) src(%dma_wait3A_393 : memref<512x64xf32, #tpu.memory_space<vmem>>) dst(%dma_wait3A_389 : memref<512x64xf32, #tpu.memory_space<hbm>>)
        tpu.yield
      }) : () -> ()
      %add3A_268 = arith.constant 2 : i32
      %add3A_269 = arith.addi %add3A_182, %add3A_268 : i32
      %lt3A = arith.constant 50 : i32
      %lt3A_270 = arith.cmpi slt, %add3A_269, %lt3A : i32
      %convert_element_type3A = arith.extui %lt3A_270 : i1 to i32
      %cond3A = arith.constant 0 : i32
      %cond3A_271 = arith.cmpi ne, %convert_element_type3A, %cond3A : i32
      scf.if %cond3A_271 {
        %add3A_369 = arith.constant 2 : i32
        %add3A_370 = arith.addi %add3A_182, %add3A_369 : i32
        %mul3A_371 = arith.constant 50 : i32
        %mul3A_372 = arith.muli %add3A, %mul3A_371 : i32
        %add3A_373 = arith.addi %mul3A_372, %add3A_370 : i32
        %mul3A_374 = arith.constant 4 : i32
        %mul3A_375 = arith.muli %add3A_373, %mul3A_374 : i32
        %run_scoped3A_376 = arith.constant 0 : i32
        "tpu.region"() ({
          %run_scoped3A_457 = tpu.sem_alloc : memref<!tpu.dma_semaphore, #tpu.memory_space<semaphore_mem>>
          %dma_start3A_458 = arith.constant 0 : i32
          %dma_start3A_459 = arith.constant 0 : i32
          %dma_start3A_460 = tpu.memref_slice %arg5[%run_scoped3A_376, %dma_start3A_458, %dma_start3A_459] : memref<2x4x128xi32, #tpu.memory_space<vmem>> -> memref<1x4x128xi32, #tpu.memory_space<vmem>>
          %dma_start3A_461 = tpu.memref_squeeze %dma_start3A_460 : memref<1x4x128xi32, #tpu.memory_space<vmem>> -> memref<4x128xi32, #tpu.memory_space<vmem>>
          %dma_start3A_462 = arith.constant 0 : i32
          %dma_start3A_463 = tpu.memref_slice %arg2[%mul3A_375, %dma_start3A_462] : memref<6400x128xi32, #tpu.memory_space<hbm>> -> memref<4x128xi32, #tpu.memory_space<hbm>>
          %dma_start3A_464 = arith.constant 0 : i32
          %dma_start3A_465 = arith.constant 0 : i32
          %dma_start3A_466 = tpu.memref_slice %arg5[%run_scoped3A_376, %dma_start3A_464, %dma_start3A_465] : memref<2x4x128xi32, #tpu.memory_space<vmem>> -> memref<1x4x128xi32, #tpu.memory_space<vmem>>
          %dma_start3A_467 = tpu.memref_squeeze %dma_start3A_466 : memref<1x4x128xi32, #tpu.memory_space<vmem>> -> memref<4x128xi32, #tpu.memory_space<vmem>>
          %dma_start3A_468 = arith.constant 0 : i32
          %dma_start3A_469 = tpu.memref_slice %arg2[%mul3A_375, %dma_start3A_468] : memref<6400x128xi32, #tpu.memory_space<hbm>> -> memref<4x128xi32, #tpu.memory_space<hbm>>
          tpu.enqueue_dma source(%dma_start3A_469 : memref<4x128xi32, #tpu.memory_space<hbm>>) target(%dma_start3A_467 : memref<4x128xi32, #tpu.memory_space<vmem>>) target_semaphore(%run_scoped3A_457 : memref<!tpu.dma_semaphore, #tpu.memory_space<semaphore_mem>>)
          %dma_wait3A_470 = arith.constant 0 : i32
          %dma_wait3A_471 = arith.constant 0 : i32
          %dma_wait3A_472 = tpu.memref_slice %arg5[%run_scoped3A_376, %dma_wait3A_470, %dma_wait3A_471] : memref<2x4x128xi32, #tpu.memory_space<vmem>> -> memref<1x4x128xi32, #tpu.memory_space<vmem>>
          %dma_wait3A_473 = tpu.memref_squeeze %dma_wait3A_472 : memref<1x4x128xi32, #tpu.memory_space<vmem>> -> memref<4x128xi32, #tpu.memory_space<vmem>>
          %dma_wait3A_474 = arith.constant 0 : i32
          %dma_wait3A_475 = tpu.memref_slice %arg2[%mul3A_375, %dma_wait3A_474] : memref<6400x128xi32, #tpu.memory_space<hbm>> -> memref<4x128xi32, #tpu.memory_space<hbm>>
          %dma_wait3A_476 = arith.constant 0 : i32
          %dma_wait3A_477 = arith.constant 0 : i32
          %dma_wait3A_478 = tpu.memref_slice %arg5[%run_scoped3A_376, %dma_wait3A_476, %dma_wait3A_477] : memref<2x4x128xi32, #tpu.memory_space<vmem>> -> memref<1x4x128xi32, #tpu.memory_space<vmem>>
          %dma_wait3A_479 = tpu.memref_squeeze %dma_wait3A_478 : memref<1x4x128xi32, #tpu.memory_space<vmem>> -> memref<4x128xi32, #tpu.memory_space<vmem>>
          %dma_wait3A_480 = arith.constant 0 : i32
          %dma_wait3A_481 = tpu.memref_slice %arg2[%mul3A_375, %dma_wait3A_480] : memref<6400x128xi32, #tpu.memory_space<hbm>> -> memref<4x128xi32, #tpu.memory_space<hbm>>
          tpu.wait_dma2 semaphore(%run_scoped3A_457 : memref<!tpu.dma_semaphore, #tpu.memory_space<semaphore_mem>>) src(%dma_wait3A_481 : memref<4x128xi32, #tpu.memory_space<hbm>>) dst(%dma_wait3A_479 : memref<4x128xi32, #tpu.memory_space<vmem>>)
          tpu.yield
        }) : () -> ()
        %dma_start3A_377 = arith.constant 0 : i32
        %dma_start3A_378 = arith.constant 0 : i32
        %dma_start3A_379 = arith.constant 0 : i32
        %dma_start3A_380 = arith.constant 0 : i32
        %dma_start3A_381 = arith.constant 0 : i32
        %dma_start3A_382 = tpu.memref_slice %arg6[%dma_start3A_379, %dma_start3A_380, %dma_start3A_381] : memref<2x512x64xf32, #tpu.memory_space<vmem>> -> memref<1x512x64xf32, #tpu.memory_space<vmem>>
        %dma_start3A_383 = tpu.memref_squeeze %dma_start3A_382 : memref<1x512x64xf32, #tpu.memory_space<vmem>> -> memref<512x64xf32, #tpu.memory_space<vmem>>
        %dma_start3A_384 = arith.constant 0 : i32
        %dma_start3A_385 = arith.constant 0 : i32
        %dma_start3A_386 = tpu.memref_slice %dma_start3A_383[%dma_start3A_384, %dma_start3A_385] : memref<512x64xf32, #tpu.memory_space<vmem>> -> memref<128x64xf32, #tpu.memory_space<vmem>>
        %dma_start3A_387 = arith.constant 0 : i32
        %dma_start3A_388 = arith.constant 0 : i32
        %dma_start3A_389 = tpu.memref_slice %arg5[%dma_start3A_377, %dma_start3A_387, %dma_start3A_388] : memref<2x4x128xi32, #tpu.memory_space<vmem>> -> memref<1x4x128xi32, #tpu.memory_space<vmem>>
        %dma_start3A_390 = tpu.memref_squeeze %dma_start3A_389 : memref<1x4x128xi32, #tpu.memory_space<vmem>> -> memref<4x128xi32, #tpu.memory_space<vmem>>
        %dma_start3A_391 = arith.constant 0 : i32
        %dma_start3A_392 = tpu.memref_slice %dma_start3A_390[%dma_start3A_378, %dma_start3A_391] : memref<4x128xi32, #tpu.memory_space<vmem>> -> memref<1x128xi32, #tpu.memory_space<vmem>>
        %dma_start3A_393 = tpu.memref_squeeze %dma_start3A_392 : memref<1x128xi32, #tpu.memory_space<vmem>> -> memref<128xi32, #tpu.memory_space<vmem>>
        %dma_start3A_394 = arith.constant 0 : i32
        %dma_start3A_395 = arith.constant 0 : i32
        %dma_start3A_396 = tpu.memref_slice %arg3[%dma_start3A_394, %dma_start3A_395] : memref<1000000x64xf32, #tpu.memory_space<hbm>> -> memref<1000000x64xf32, #tpu.memory_space<hbm>>
        tpu.enqueue_indirect_dma source(%dma_start3A_396 : memref<1000000x64xf32, #tpu.memory_space<hbm>>) target(%dma_start3A_386 : memref<128x64xf32, #tpu.memory_space<vmem>>) offsets(%dma_start3A_393 : memref<128xi32, #tpu.memory_space<vmem>>) semaphore(%arg7 : memref<!tpu.dma_semaphore, #tpu.memory_space<semaphore_mem>>)
        %dma_start3A_397 = arith.constant 0 : i32
        %dma_start3A_398 = arith.constant 1 : i32
        %dma_start3A_399 = arith.constant 0 : i32
        %dma_start3A_400 = arith.constant 0 : i32
        %dma_start3A_401 = arith.constant 0 : i32
        %dma_start3A_402 = tpu.memref_slice %arg6[%dma_start3A_399, %dma_start3A_400, %dma_start3A_401] : memref<2x512x64xf32, #tpu.memory_space<vmem>> -> memref<1x512x64xf32, #tpu.memory_space<vmem>>
        %dma_start3A_403 = tpu.memref_squeeze %dma_start3A_402 : memref<1x512x64xf32, #tpu.memory_space<vmem>> -> memref<512x64xf32, #tpu.memory_space<vmem>>
        %dma_start3A_404 = arith.constant 128 : i32
        %dma_start3A_405 = arith.constant 0 : i32
        %dma_start3A_406 = tpu.memref_slice %dma_start3A_403[%dma_start3A_404, %dma_start3A_405] : memref<512x64xf32, #tpu.memory_space<vmem>> -> memref<128x64xf32, #tpu.memory_space<vmem>>
        %dma_start3A_407 = arith.constant 0 : i32
        %dma_start3A_408 = arith.constant 0 : i32
        %dma_start3A_409 = tpu.memref_slice %arg5[%dma_start3A_397, %dma_start3A_407, %dma_start3A_408] : memref<2x4x128xi32, #tpu.memory_space<vmem>> -> memref<1x4x128xi32, #tpu.memory_space<vmem>>
        %dma_start3A_410 = tpu.memref_squeeze %dma_start3A_409 : memref<1x4x128xi32, #tpu.memory_space<vmem>> -> memref<4x128xi32, #tpu.memory_space<vmem>>
        %dma_start3A_411 = arith.constant 0 : i32
        %dma_start3A_412 = tpu.memref_slice %dma_start3A_410[%dma_start3A_398, %dma_start3A_411] : memref<4x128xi32, #tpu.memory_space<vmem>> -> memref<1x128xi32, #tpu.memory_space<vmem>>
        %dma_start3A_413 = tpu.memref_squeeze %dma_start3A_412 : memref<1x128xi32, #tpu.memory_space<vmem>> -> memref<128xi32, #tpu.memory_space<vmem>>
        %dma_start3A_414 = arith.constant 0 : i32
        %dma_start3A_415 = arith.constant 0 : i32
        %dma_start3A_416 = tpu.memref_slice %arg3[%dma_start3A_414, %dma_start3A_415] : memref<1000000x64xf32, #tpu.memory_space<hbm>> -> memref<1000000x64xf32, #tpu.memory_space<hbm>>
        tpu.enqueue_indirect_dma source(%dma_start3A_416 : memref<1000000x64xf32, #tpu.memory_space<hbm>>) target(%dma_start3A_406 : memref<128x64xf32, #tpu.memory_space<vmem>>) offsets(%dma_start3A_413 : memref<128xi32, #tpu.memory_space<vmem>>) semaphore(%arg7 : memref<!tpu.dma_semaphore, #tpu.memory_space<semaphore_mem>>)
        %dma_start3A_417 = arith.constant 0 : i32
        %dma_start3A_418 = arith.constant 2 : i32
        %dma_start3A_419 = arith.constant 0 : i32
        %dma_start3A_420 = arith.constant 0 : i32
        %dma_start3A_421 = arith.constant 0 : i32
        %dma_start3A_422 = tpu.memref_slice %arg6[%dma_start3A_419, %dma_start3A_420, %dma_start3A_421] : memref<2x512x64xf32, #tpu.memory_space<vmem>> -> memref<1x512x64xf32, #tpu.memory_space<vmem>>
        %dma_start3A_423 = tpu.memref_squeeze %dma_start3A_422 : memref<1x512x64xf32, #tpu.memory_space<vmem>> -> memref<512x64xf32, #tpu.memory_space<vmem>>
        %dma_start3A_424 = arith.constant 256 : i32
        %dma_start3A_425 = arith.constant 0 : i32
        %dma_start3A_426 = tpu.memref_slice %dma_start3A_423[%dma_start3A_424, %dma_start3A_425] : memref<512x64xf32, #tpu.memory_space<vmem>> -> memref<128x64xf32, #tpu.memory_space<vmem>>
        %dma_start3A_427 = arith.constant 0 : i32
        %dma_start3A_428 = arith.constant 0 : i32
        %dma_start3A_429 = tpu.memref_slice %arg5[%dma_start3A_417, %dma_start3A_427, %dma_start3A_428] : memref<2x4x128xi32, #tpu.memory_space<vmem>> -> memref<1x4x128xi32, #tpu.memory_space<vmem>>
        %dma_start3A_430 = tpu.memref_squeeze %dma_start3A_429 : memref<1x4x128xi32, #tpu.memory_space<vmem>> -> memref<4x128xi32, #tpu.memory_space<vmem>>
        %dma_start3A_431 = arith.constant 0 : i32
        %dma_start3A_432 = tpu.memref_slice %dma_start3A_430[%dma_start3A_418, %dma_start3A_431] : memref<4x128xi32, #tpu.memory_space<vmem>> -> memref<1x128xi32, #tpu.memory_space<vmem>>
        %dma_start3A_433 = tpu.memref_squeeze %dma_start3A_432 : memref<1x128xi32, #tpu.memory_space<vmem>> -> memref<128xi32, #tpu.memory_space<vmem>>
        %dma_start3A_434 = arith.constant 0 : i32
        %dma_start3A_435 = arith.constant 0 : i32
        %dma_start3A_436 = tpu.memref_slice %arg3[%dma_start3A_434, %dma_start3A_435] : memref<1000000x64xf32, #tpu.memory_space<hbm>> -> memref<1000000x64xf32, #tpu.memory_space<hbm>>
        tpu.enqueue_indirect_dma source(%dma_start3A_436 : memref<1000000x64xf32, #tpu.memory_space<hbm>>) target(%dma_start3A_426 : memref<128x64xf32, #tpu.memory_space<vmem>>) offsets(%dma_start3A_433 : memref<128xi32, #tpu.memory_space<vmem>>) semaphore(%arg7 : memref<!tpu.dma_semaphore, #tpu.memory_space<semaphore_mem>>)
        %dma_start3A_437 = arith.constant 0 : i32
        %dma_start3A_438 = arith.constant 3 : i32
        %dma_start3A_439 = arith.constant 0 : i32
        %dma_start3A_440 = arith.constant 0 : i32
        %dma_start3A_441 = arith.constant 0 : i32
        %dma_start3A_442 = tpu.memref_slice %arg6[%dma_start3A_439, %dma_start3A_440, %dma_start3A_441] : memref<2x512x64xf32, #tpu.memory_space<vmem>> -> memref<1x512x64xf32, #tpu.memory_space<vmem>>
        %dma_start3A_443 = tpu.memref_squeeze %dma_start3A_442 : memref<1x512x64xf32, #tpu.memory_space<vmem>> -> memref<512x64xf32, #tpu.memory_space<vmem>>
        %dma_start3A_444 = arith.constant 384 : i32
        %dma_start3A_445 = arith.constant 0 : i32
        %dma_start3A_446 = tpu.memref_slice %dma_start3A_443[%dma_start3A_444, %dma_start3A_445] : memref<512x64xf32, #tpu.memory_space<vmem>> -> memref<128x64xf32, #tpu.memory_space<vmem>>
        %dma_start3A_447 = arith.constant 0 : i32
        %dma_start3A_448 = arith.constant 0 : i32
        %dma_start3A_449 = tpu.memref_slice %arg5[%dma_start3A_437, %dma_start3A_447, %dma_start3A_448] : memref<2x4x128xi32, #tpu.memory_space<vmem>> -> memref<1x4x128xi32, #tpu.memory_space<vmem>>
        %dma_start3A_450 = tpu.memref_squeeze %dma_start3A_449 : memref<1x4x128xi32, #tpu.memory_space<vmem>> -> memref<4x128xi32, #tpu.memory_space<vmem>>
        %dma_start3A_451 = arith.constant 0 : i32
        %dma_start3A_452 = tpu.memref_slice %dma_start3A_450[%dma_start3A_438, %dma_start3A_451] : memref<4x128xi32, #tpu.memory_space<vmem>> -> memref<1x128xi32, #tpu.memory_space<vmem>>
        %dma_start3A_453 = tpu.memref_squeeze %dma_start3A_452 : memref<1x128xi32, #tpu.memory_space<vmem>> -> memref<128xi32, #tpu.memory_space<vmem>>
        %dma_start3A_454 = arith.constant 0 : i32
        %dma_start3A_455 = arith.constant 0 : i32
        %dma_start3A_456 = tpu.memref_slice %arg3[%dma_start3A_454, %dma_start3A_455] : memref<1000000x64xf32, #tpu.memory_space<hbm>> -> memref<1000000x64xf32, #tpu.memory_space<hbm>>
        tpu.enqueue_indirect_dma source(%dma_start3A_456 : memref<1000000x64xf32, #tpu.memory_space<hbm>>) target(%dma_start3A_446 : memref<128x64xf32, #tpu.memory_space<vmem>>) offsets(%dma_start3A_453 : memref<128xi32, #tpu.memory_space<vmem>>) semaphore(%arg7 : memref<!tpu.dma_semaphore, #tpu.memory_space<semaphore_mem>>)
      } else {
      }
      %mul3A_272 = arith.constant 2 : i32
      %mul3A_273 = arith.muli %mul3A_272, %scan3A_178 : i32
      %add3A_274 = arith.constant 1 : i32
      %add3A_275 = arith.addi %mul3A_273, %add3A_274 : i32
      %dma_wait3A_276 = arith.constant 1 : i32
      %dma_wait3A_277 = arith.constant 0 : i32
      %dma_wait3A_278 = arith.constant 1 : i32
      %dma_wait3A_279 = arith.constant 0 : i32
      %dma_wait3A_280 = arith.constant 0 : i32
      %dma_wait3A_281 = tpu.memref_slice %arg6[%dma_wait3A_278, %dma_wait3A_279, %dma_wait3A_280] : memref<2x512x64xf32, #tpu.memory_space<vmem>> -> memref<1x512x64xf32, #tpu.memory_space<vmem>>
      %dma_wait3A_282 = tpu.memref_squeeze %dma_wait3A_281 : memref<1x512x64xf32, #tpu.memory_space<vmem>> -> memref<512x64xf32, #tpu.memory_space<vmem>>
      %dma_wait3A_283 = arith.constant 0 : i32
      %dma_wait3A_284 = arith.constant 0 : i32
      %dma_wait3A_285 = tpu.memref_slice %dma_wait3A_282[%dma_wait3A_283, %dma_wait3A_284] : memref<512x64xf32, #tpu.memory_space<vmem>> -> memref<128x64xf32, #tpu.memory_space<vmem>>
      %dma_wait3A_286 = arith.constant 0 : i32
      %dma_wait3A_287 = arith.constant 0 : i32
      %dma_wait3A_288 = tpu.memref_slice %arg5[%dma_wait3A_276, %dma_wait3A_286, %dma_wait3A_287] : memref<2x4x128xi32, #tpu.memory_space<vmem>> -> memref<1x4x128xi32, #tpu.memory_space<vmem>>
      %dma_wait3A_289 = tpu.memref_squeeze %dma_wait3A_288 : memref<1x4x128xi32, #tpu.memory_space<vmem>> -> memref<4x128xi32, #tpu.memory_space<vmem>>
      %dma_wait3A_290 = arith.constant 0 : i32
      %dma_wait3A_291 = tpu.memref_slice %dma_wait3A_289[%dma_wait3A_277, %dma_wait3A_290] : memref<4x128xi32, #tpu.memory_space<vmem>> -> memref<1x128xi32, #tpu.memory_space<vmem>>
      %dma_wait3A_292 = tpu.memref_squeeze %dma_wait3A_291 : memref<1x128xi32, #tpu.memory_space<vmem>> -> memref<128xi32, #tpu.memory_space<vmem>>
      %dma_wait3A_293 = arith.constant 0 : i32
      %dma_wait3A_294 = arith.constant 0 : i32
      %dma_wait3A_295 = tpu.memref_slice %arg3[%dma_wait3A_293, %dma_wait3A_294] : memref<1000000x64xf32, #tpu.memory_space<hbm>> -> memref<1000000x64xf32, #tpu.memory_space<hbm>>
      tpu.wait_indirect_dma semaphore(%arg8 : memref<!tpu.dma_semaphore, #tpu.memory_space<semaphore_mem>>) src(%dma_wait3A_295 : memref<1000000x64xf32, #tpu.memory_space<hbm>>) dst(%dma_wait3A_285 : memref<128x64xf32, #tpu.memory_space<vmem>>)
      %dma_wait3A_296 = arith.constant 1 : i32
      %dma_wait3A_297 = arith.constant 1 : i32
      %dma_wait3A_298 = arith.constant 1 : i32
      %dma_wait3A_299 = arith.constant 0 : i32
      %dma_wait3A_300 = arith.constant 0 : i32
      %dma_wait3A_301 = tpu.memref_slice %arg6[%dma_wait3A_298, %dma_wait3A_299, %dma_wait3A_300] : memref<2x512x64xf32, #tpu.memory_space<vmem>> -> memref<1x512x64xf32, #tpu.memory_space<vmem>>
      %dma_wait3A_302 = tpu.memref_squeeze %dma_wait3A_301 : memref<1x512x64xf32, #tpu.memory_space<vmem>> -> memref<512x64xf32, #tpu.memory_space<vmem>>
      %dma_wait3A_303 = arith.constant 128 : i32
      %dma_wait3A_304 = arith.constant 0 : i32
      %dma_wait3A_305 = tpu.memref_slice %dma_wait3A_302[%dma_wait3A_303, %dma_wait3A_304] : memref<512x64xf32, #tpu.memory_space<vmem>> -> memref<128x64xf32, #tpu.memory_space<vmem>>
      %dma_wait3A_306 = arith.constant 0 : i32
      %dma_wait3A_307 = arith.constant 0 : i32
      %dma_wait3A_308 = tpu.memref_slice %arg5[%dma_wait3A_296, %dma_wait3A_306, %dma_wait3A_307] : memref<2x4x128xi32, #tpu.memory_space<vmem>> -> memref<1x4x128xi32, #tpu.memory_space<vmem>>
      %dma_wait3A_309 = tpu.memref_squeeze %dma_wait3A_308 : memref<1x4x128xi32, #tpu.memory_space<vmem>> -> memref<4x128xi32, #tpu.memory_space<vmem>>
      %dma_wait3A_310 = arith.constant 0 : i32
      %dma_wait3A_311 = tpu.memref_slice %dma_wait3A_309[%dma_wait3A_297, %dma_wait3A_310] : memref<4x128xi32, #tpu.memory_space<vmem>> -> memref<1x128xi32, #tpu.memory_space<vmem>>
      %dma_wait3A_312 = tpu.memref_squeeze %dma_wait3A_311 : memref<1x128xi32, #tpu.memory_space<vmem>> -> memref<128xi32, #tpu.memory_space<vmem>>
      %dma_wait3A_313 = arith.constant 0 : i32
      %dma_wait3A_314 = arith.constant 0 : i32
      %dma_wait3A_315 = tpu.memref_slice %arg3[%dma_wait3A_313, %dma_wait3A_314] : memref<1000000x64xf32, #tpu.memory_space<hbm>> -> memref<1000000x64xf32, #tpu.memory_space<hbm>>
      tpu.wait_indirect_dma semaphore(%arg8 : memref<!tpu.dma_semaphore, #tpu.memory_space<semaphore_mem>>) src(%dma_wait3A_315 : memref<1000000x64xf32, #tpu.memory_space<hbm>>) dst(%dma_wait3A_305 : memref<128x64xf32, #tpu.memory_space<vmem>>)
      %dma_wait3A_316 = arith.constant 1 : i32
      %dma_wait3A_317 = arith.constant 2 : i32
      %dma_wait3A_318 = arith.constant 1 : i32
      %dma_wait3A_319 = arith.constant 0 : i32
      %dma_wait3A_320 = arith.constant 0 : i32
      %dma_wait3A_321 = tpu.memref_slice %arg6[%dma_wait3A_318, %dma_wait3A_319, %dma_wait3A_320] : memref<2x512x64xf32, #tpu.memory_space<vmem>> -> memref<1x512x64xf32, #tpu.memory_space<vmem>>
      %dma_wait3A_322 = tpu.memref_squeeze %dma_wait3A_321 : memref<1x512x64xf32, #tpu.memory_space<vmem>> -> memref<512x64xf32, #tpu.memory_space<vmem>>
      %dma_wait3A_323 = arith.constant 256 : i32
      %dma_wait3A_324 = arith.constant 0 : i32
      %dma_wait3A_325 = tpu.memref_slice %dma_wait3A_322[%dma_wait3A_323, %dma_wait3A_324] : memref<512x64xf32, #tpu.memory_space<vmem>> -> memref<128x64xf32, #tpu.memory_space<vmem>>
      %dma_wait3A_326 = arith.constant 0 : i32
      %dma_wait3A_327 = arith.constant 0 : i32
      %dma_wait3A_328 = tpu.memref_slice %arg5[%dma_wait3A_316, %dma_wait3A_326, %dma_wait3A_327] : memref<2x4x128xi32, #tpu.memory_space<vmem>> -> memref<1x4x128xi32, #tpu.memory_space<vmem>>
      %dma_wait3A_329 = tpu.memref_squeeze %dma_wait3A_328 : memref<1x4x128xi32, #tpu.memory_space<vmem>> -> memref<4x128xi32, #tpu.memory_space<vmem>>
      %dma_wait3A_330 = arith.constant 0 : i32
      %dma_wait3A_331 = tpu.memref_slice %dma_wait3A_329[%dma_wait3A_317, %dma_wait3A_330] : memref<4x128xi32, #tpu.memory_space<vmem>> -> memref<1x128xi32, #tpu.memory_space<vmem>>
      %dma_wait3A_332 = tpu.memref_squeeze %dma_wait3A_331 : memref<1x128xi32, #tpu.memory_space<vmem>> -> memref<128xi32, #tpu.memory_space<vmem>>
      %dma_wait3A_333 = arith.constant 0 : i32
      %dma_wait3A_334 = arith.constant 0 : i32
      %dma_wait3A_335 = tpu.memref_slice %arg3[%dma_wait3A_333, %dma_wait3A_334] : memref<1000000x64xf32, #tpu.memory_space<hbm>> -> memref<1000000x64xf32, #tpu.memory_space<hbm>>
      tpu.wait_indirect_dma semaphore(%arg8 : memref<!tpu.dma_semaphore, #tpu.memory_space<semaphore_mem>>) src(%dma_wait3A_335 : memref<1000000x64xf32, #tpu.memory_space<hbm>>) dst(%dma_wait3A_325 : memref<128x64xf32, #tpu.memory_space<vmem>>)
      %dma_wait3A_336 = arith.constant 1 : i32
      %dma_wait3A_337 = arith.constant 3 : i32
      %dma_wait3A_338 = arith.constant 1 : i32
      %dma_wait3A_339 = arith.constant 0 : i32
      %dma_wait3A_340 = arith.constant 0 : i32
      %dma_wait3A_341 = tpu.memref_slice %arg6[%dma_wait3A_338, %dma_wait3A_339, %dma_wait3A_340] : memref<2x512x64xf32, #tpu.memory_space<vmem>> -> memref<1x512x64xf32, #tpu.memory_space<vmem>>
      %dma_wait3A_342 = tpu.memref_squeeze %dma_wait3A_341 : memref<1x512x64xf32, #tpu.memory_space<vmem>> -> memref<512x64xf32, #tpu.memory_space<vmem>>
      %dma_wait3A_343 = arith.constant 384 : i32
      %dma_wait3A_344 = arith.constant 0 : i32
      %dma_wait3A_345 = tpu.memref_slice %dma_wait3A_342[%dma_wait3A_343, %dma_wait3A_344] : memref<512x64xf32, #tpu.memory_space<vmem>> -> memref<128x64xf32, #tpu.memory_space<vmem>>
      %dma_wait3A_346 = arith.constant 0 : i32
      %dma_wait3A_347 = arith.constant 0 : i32
      %dma_wait3A_348 = tpu.memref_slice %arg5[%dma_wait3A_336, %dma_wait3A_346, %dma_wait3A_347] : memref<2x4x128xi32, #tpu.memory_space<vmem>> -> memref<1x4x128xi32, #tpu.memory_space<vmem>>
      %dma_wait3A_349 = tpu.memref_squeeze %dma_wait3A_348 : memref<1x4x128xi32, #tpu.memory_space<vmem>> -> memref<4x128xi32, #tpu.memory_space<vmem>>
      %dma_wait3A_350 = arith.constant 0 : i32
      %dma_wait3A_351 = tpu.memref_slice %dma_wait3A_349[%dma_wait3A_337, %dma_wait3A_350] : memref<4x128xi32, #tpu.memory_space<vmem>> -> memref<1x128xi32, #tpu.memory_space<vmem>>
      %dma_wait3A_352 = tpu.memref_squeeze %dma_wait3A_351 : memref<1x128xi32, #tpu.memory_space<vmem>> -> memref<128xi32, #tpu.memory_space<vmem>>
      %dma_wait3A_353 = arith.constant 0 : i32
      %dma_wait3A_354 = arith.constant 0 : i32
      %dma_wait3A_355 = tpu.memref_slice %arg3[%dma_wait3A_353, %dma_wait3A_354] : memref<1000000x64xf32, #tpu.memory_space<hbm>> -> memref<1000000x64xf32, #tpu.memory_space<hbm>>
      tpu.wait_indirect_dma semaphore(%arg8 : memref<!tpu.dma_semaphore, #tpu.memory_space<semaphore_mem>>) src(%dma_wait3A_355 : memref<1000000x64xf32, #tpu.memory_space<hbm>>) dst(%dma_wait3A_345 : memref<128x64xf32, #tpu.memory_space<vmem>>)
      %mul3A_356 = arith.constant 50 : i32
      %mul3A_357 = arith.muli %add3A, %mul3A_356 : i32
      %add3A_358 = arith.addi %mul3A_357, %add3A_275 : i32
      %mul3A_359 = arith.constant 512 : i32
      %mul3A_360 = arith.muli %add3A_358, %mul3A_359 : i32
      %run_scoped3A_361 = arith.constant 1 : i32
      "tpu.region"() ({
        %run_scoped3A_369 = tpu.sem_alloc : memref<!tpu.dma_semaphore, #tpu.memory_space<semaphore_mem>>
        %dma_start3A_370 = arith.constant 0 : i32
        %dma_start3A_371 = arith.constant 0 : i32
        %dma_start3A_372 = tpu.memref_slice %arg6[%run_scoped3A_361, %dma_start3A_370, %dma_start3A_371] : memref<2x512x64xf32, #tpu.memory_space<vmem>> -> memref<1x512x64xf32, #tpu.memory_space<vmem>>
        %dma_start3A_373 = tpu.memref_squeeze %dma_start3A_372 : memref<1x512x64xf32, #tpu.memory_space<vmem>> -> memref<512x64xf32, #tpu.memory_space<vmem>>
        %dma_start3A_374 = arith.constant 0 : i32
        %dma_start3A_375 = tpu.memref_slice %arg4[%mul3A_360, %dma_start3A_374] : memref<819200x128xf32, #tpu.memory_space<hbm>> -> memref<512x64xf32, #tpu.memory_space<hbm>>
        %dma_start3A_376 = arith.constant 0 : i32
        %dma_start3A_377 = tpu.memref_slice %arg4[%mul3A_360, %dma_start3A_376] : memref<819200x128xf32, #tpu.memory_space<hbm>> -> memref<512x64xf32, #tpu.memory_space<hbm>>
        %dma_start3A_378 = arith.constant 0 : i32
        %dma_start3A_379 = arith.constant 0 : i32
        %dma_start3A_380 = tpu.memref_slice %arg6[%run_scoped3A_361, %dma_start3A_378, %dma_start3A_379] : memref<2x512x64xf32, #tpu.memory_space<vmem>> -> memref<1x512x64xf32, #tpu.memory_space<vmem>>
        %dma_start3A_381 = tpu.memref_squeeze %dma_start3A_380 : memref<1x512x64xf32, #tpu.memory_space<vmem>> -> memref<512x64xf32, #tpu.memory_space<vmem>>
        tpu.enqueue_dma source(%dma_start3A_381 : memref<512x64xf32, #tpu.memory_space<vmem>>) target(%dma_start3A_377 : memref<512x64xf32, #tpu.memory_space<hbm>>) target_semaphore(%run_scoped3A_369 : memref<!tpu.dma_semaphore, #tpu.memory_space<semaphore_mem>>)
        %dma_wait3A_382 = arith.constant 0 : i32
        %dma_wait3A_383 = arith.constant 0 : i32
        %dma_wait3A_384 = tpu.memref_slice %arg6[%run_scoped3A_361, %dma_wait3A_382, %dma_wait3A_383] : memref<2x512x64xf32, #tpu.memory_space<vmem>> -> memref<1x512x64xf32, #tpu.memory_space<vmem>>
        %dma_wait3A_385 = tpu.memref_squeeze %dma_wait3A_384 : memref<1x512x64xf32, #tpu.memory_space<vmem>> -> memref<512x64xf32, #tpu.memory_space<vmem>>
        %dma_wait3A_386 = arith.constant 0 : i32
        %dma_wait3A_387 = tpu.memref_slice %arg4[%mul3A_360, %dma_wait3A_386] : memref<819200x128xf32, #tpu.memory_space<hbm>> -> memref<512x64xf32, #tpu.memory_space<hbm>>
        %dma_wait3A_388 = arith.constant 0 : i32
        %dma_wait3A_389 = tpu.memref_slice %arg4[%mul3A_360, %dma_wait3A_388] : memref<819200x128xf32, #tpu.memory_space<hbm>> -> memref<512x64xf32, #tpu.memory_space<hbm>>
        %dma_wait3A_390 = arith.constant 0 : i32
        %dma_wait3A_391 = arith.constant 0 : i32
        %dma_wait3A_392 = tpu.memref_slice %arg6[%run_scoped3A_361, %dma_wait3A_390, %dma_wait3A_391] : memref<2x512x64xf32, #tpu.memory_space<vmem>> -> memref<1x512x64xf32, #tpu.memory_space<vmem>>
        %dma_wait3A_393 = tpu.memref_squeeze %dma_wait3A_392 : memref<1x512x64xf32, #tpu.memory_space<vmem>> -> memref<512x64xf32, #tpu.memory_space<vmem>>
        tpu.wait_dma2 semaphore(%run_scoped3A_369 : memref<!tpu.dma_semaphore, #tpu.memory_space<semaphore_mem>>) src(%dma_wait3A_393 : memref<512x64xf32, #tpu.memory_space<vmem>>) dst(%dma_wait3A_389 : memref<512x64xf32, #tpu.memory_space<hbm>>)
        tpu.yield
      }) : () -> ()
      %add3A_362 = arith.constant 2 : i32
      %add3A_363 = arith.addi %add3A_275, %add3A_362 : i32
      %lt3A_364 = arith.constant 50 : i32
      %lt3A_365 = arith.cmpi slt, %add3A_363, %lt3A_364 : i32
      %convert_element_type3A_366 = arith.extui %lt3A_365 : i1 to i32
      %cond3A_367 = arith.constant 0 : i32
      %cond3A_368 = arith.cmpi ne, %convert_element_type3A_366, %cond3A_367 : i32
      scf.if %cond3A_368 {
        %add3A_369 = arith.constant 2 : i32
        %add3A_370 = arith.addi %add3A_275, %add3A_369 : i32
        %mul3A_371 = arith.constant 50 : i32
        %mul3A_372 = arith.muli %add3A, %mul3A_371 : i32
        %add3A_373 = arith.addi %mul3A_372, %add3A_370 : i32
        %mul3A_374 = arith.constant 4 : i32
        %mul3A_375 = arith.muli %add3A_373, %mul3A_374 : i32
        %run_scoped3A_376 = arith.constant 1 : i32
        "tpu.region"() ({
          %run_scoped3A_457 = tpu.sem_alloc : memref<!tpu.dma_semaphore, #tpu.memory_space<semaphore_mem>>
          %dma_start3A_458 = arith.constant 0 : i32
          %dma_start3A_459 = arith.constant 0 : i32
          %dma_start3A_460 = tpu.memref_slice %arg5[%run_scoped3A_376, %dma_start3A_458, %dma_start3A_459] : memref<2x4x128xi32, #tpu.memory_space<vmem>> -> memref<1x4x128xi32, #tpu.memory_space<vmem>>
          %dma_start3A_461 = tpu.memref_squeeze %dma_start3A_460 : memref<1x4x128xi32, #tpu.memory_space<vmem>> -> memref<4x128xi32, #tpu.memory_space<vmem>>
          %dma_start3A_462 = arith.constant 0 : i32
          %dma_start3A_463 = tpu.memref_slice %arg2[%mul3A_375, %dma_start3A_462] : memref<6400x128xi32, #tpu.memory_space<hbm>> -> memref<4x128xi32, #tpu.memory_space<hbm>>
          %dma_start3A_464 = arith.constant 0 : i32
          %dma_start3A_465 = arith.constant 0 : i32
          %dma_start3A_466 = tpu.memref_slice %arg5[%run_scoped3A_376, %dma_start3A_464, %dma_start3A_465] : memref<2x4x128xi32, #tpu.memory_space<vmem>> -> memref<1x4x128xi32, #tpu.memory_space<vmem>>
          %dma_start3A_467 = tpu.memref_squeeze %dma_start3A_466 : memref<1x4x128xi32, #tpu.memory_space<vmem>> -> memref<4x128xi32, #tpu.memory_space<vmem>>
          %dma_start3A_468 = arith.constant 0 : i32
          %dma_start3A_469 = tpu.memref_slice %arg2[%mul3A_375, %dma_start3A_468] : memref<6400x128xi32, #tpu.memory_space<hbm>> -> memref<4x128xi32, #tpu.memory_space<hbm>>
          tpu.enqueue_dma source(%dma_start3A_469 : memref<4x128xi32, #tpu.memory_space<hbm>>) target(%dma_start3A_467 : memref<4x128xi32, #tpu.memory_space<vmem>>) target_semaphore(%run_scoped3A_457 : memref<!tpu.dma_semaphore, #tpu.memory_space<semaphore_mem>>)
          %dma_wait3A_470 = arith.constant 0 : i32
          %dma_wait3A_471 = arith.constant 0 : i32
          %dma_wait3A_472 = tpu.memref_slice %arg5[%run_scoped3A_376, %dma_wait3A_470, %dma_wait3A_471] : memref<2x4x128xi32, #tpu.memory_space<vmem>> -> memref<1x4x128xi32, #tpu.memory_space<vmem>>
          %dma_wait3A_473 = tpu.memref_squeeze %dma_wait3A_472 : memref<1x4x128xi32, #tpu.memory_space<vmem>> -> memref<4x128xi32, #tpu.memory_space<vmem>>
          %dma_wait3A_474 = arith.constant 0 : i32
          %dma_wait3A_475 = tpu.memref_slice %arg2[%mul3A_375, %dma_wait3A_474] : memref<6400x128xi32, #tpu.memory_space<hbm>> -> memref<4x128xi32, #tpu.memory_space<hbm>>
          %dma_wait3A_476 = arith.constant 0 : i32
          %dma_wait3A_477 = arith.constant 0 : i32
          %dma_wait3A_478 = tpu.memref_slice %arg5[%run_scoped3A_376, %dma_wait3A_476, %dma_wait3A_477] : memref<2x4x128xi32, #tpu.memory_space<vmem>> -> memref<1x4x128xi32, #tpu.memory_space<vmem>>
          %dma_wait3A_479 = tpu.memref_squeeze %dma_wait3A_478 : memref<1x4x128xi32, #tpu.memory_space<vmem>> -> memref<4x128xi32, #tpu.memory_space<vmem>>
          %dma_wait3A_480 = arith.constant 0 : i32
          %dma_wait3A_481 = tpu.memref_slice %arg2[%mul3A_375, %dma_wait3A_480] : memref<6400x128xi32, #tpu.memory_space<hbm>> -> memref<4x128xi32, #tpu.memory_space<hbm>>
          tpu.wait_dma2 semaphore(%run_scoped3A_457 : memref<!tpu.dma_semaphore, #tpu.memory_space<semaphore_mem>>) src(%dma_wait3A_481 : memref<4x128xi32, #tpu.memory_space<hbm>>) dst(%dma_wait3A_479 : memref<4x128xi32, #tpu.memory_space<vmem>>)
          tpu.yield
        }) : () -> ()
        %dma_start3A_377 = arith.constant 1 : i32
        %dma_start3A_378 = arith.constant 0 : i32
        %dma_start3A_379 = arith.constant 1 : i32
        %dma_start3A_380 = arith.constant 0 : i32
        %dma_start3A_381 = arith.constant 0 : i32
        %dma_start3A_382 = tpu.memref_slice %arg6[%dma_start3A_379, %dma_start3A_380, %dma_start3A_381] : memref<2x512x64xf32, #tpu.memory_space<vmem>> -> memref<1x512x64xf32, #tpu.memory_space<vmem>>
        %dma_start3A_383 = tpu.memref_squeeze %dma_start3A_382 : memref<1x512x64xf32, #tpu.memory_space<vmem>> -> memref<512x64xf32, #tpu.memory_space<vmem>>
        %dma_start3A_384 = arith.constant 0 : i32
        %dma_start3A_385 = arith.constant 0 : i32
        %dma_start3A_386 = tpu.memref_slice %dma_start3A_383[%dma_start3A_384, %dma_start3A_385] : memref<512x64xf32, #tpu.memory_space<vmem>> -> memref<128x64xf32, #tpu.memory_space<vmem>>
        %dma_start3A_387 = arith.constant 0 : i32
        %dma_start3A_388 = arith.constant 0 : i32
        %dma_start3A_389 = tpu.memref_slice %arg5[%dma_start3A_377, %dma_start3A_387, %dma_start3A_388] : memref<2x4x128xi32, #tpu.memory_space<vmem>> -> memref<1x4x128xi32, #tpu.memory_space<vmem>>
        %dma_start3A_390 = tpu.memref_squeeze %dma_start3A_389 : memref<1x4x128xi32, #tpu.memory_space<vmem>> -> memref<4x128xi32, #tpu.memory_space<vmem>>
        %dma_start3A_391 = arith.constant 0 : i32
        %dma_start3A_392 = tpu.memref_slice %dma_start3A_390[%dma_start3A_378, %dma_start3A_391] : memref<4x128xi32, #tpu.memory_space<vmem>> -> memref<1x128xi32, #tpu.memory_space<vmem>>
        %dma_start3A_393 = tpu.memref_squeeze %dma_start3A_392 : memref<1x128xi32, #tpu.memory_space<vmem>> -> memref<128xi32, #tpu.memory_space<vmem>>
        %dma_start3A_394 = arith.constant 0 : i32
        %dma_start3A_395 = arith.constant 0 : i32
        %dma_start3A_396 = tpu.memref_slice %arg3[%dma_start3A_394, %dma_start3A_395] : memref<1000000x64xf32, #tpu.memory_space<hbm>> -> memref<1000000x64xf32, #tpu.memory_space<hbm>>
        tpu.enqueue_indirect_dma source(%dma_start3A_396 : memref<1000000x64xf32, #tpu.memory_space<hbm>>) target(%dma_start3A_386 : memref<128x64xf32, #tpu.memory_space<vmem>>) offsets(%dma_start3A_393 : memref<128xi32, #tpu.memory_space<vmem>>) semaphore(%arg8 : memref<!tpu.dma_semaphore, #tpu.memory_space<semaphore_mem>>)
        %dma_start3A_397 = arith.constant 1 : i32
        %dma_start3A_398 = arith.constant 1 : i32
        %dma_start3A_399 = arith.constant 1 : i32
        %dma_start3A_400 = arith.constant 0 : i32
        %dma_start3A_401 = arith.constant 0 : i32
        %dma_start3A_402 = tpu.memref_slice %arg6[%dma_start3A_399, %dma_start3A_400, %dma_start3A_401] : memref<2x512x64xf32, #tpu.memory_space<vmem>> -> memref<1x512x64xf32, #tpu.memory_space<vmem>>
        %dma_start3A_403 = tpu.memref_squeeze %dma_start3A_402 : memref<1x512x64xf32, #tpu.memory_space<vmem>> -> memref<512x64xf32, #tpu.memory_space<vmem>>
        %dma_start3A_404 = arith.constant 128 : i32
        %dma_start3A_405 = arith.constant 0 : i32
        %dma_start3A_406 = tpu.memref_slice %dma_start3A_403[%dma_start3A_404, %dma_start3A_405] : memref<512x64xf32, #tpu.memory_space<vmem>> -> memref<128x64xf32, #tpu.memory_space<vmem>>
        %dma_start3A_407 = arith.constant 0 : i32
        %dma_start3A_408 = arith.constant 0 : i32
        %dma_start3A_409 = tpu.memref_slice %arg5[%dma_start3A_397, %dma_start3A_407, %dma_start3A_408] : memref<2x4x128xi32, #tpu.memory_space<vmem>> -> memref<1x4x128xi32, #tpu.memory_space<vmem>>
        %dma_start3A_410 = tpu.memref_squeeze %dma_start3A_409 : memref<1x4x128xi32, #tpu.memory_space<vmem>> -> memref<4x128xi32, #tpu.memory_space<vmem>>
        %dma_start3A_411 = arith.constant 0 : i32
        %dma_start3A_412 = tpu.memref_slice %dma_start3A_410[%dma_start3A_398, %dma_start3A_411] : memref<4x128xi32, #tpu.memory_space<vmem>> -> memref<1x128xi32, #tpu.memory_space<vmem>>
        %dma_start3A_413 = tpu.memref_squeeze %dma_start3A_412 : memref<1x128xi32, #tpu.memory_space<vmem>> -> memref<128xi32, #tpu.memory_space<vmem>>
        %dma_start3A_414 = arith.constant 0 : i32
        %dma_start3A_415 = arith.constant 0 : i32
        %dma_start3A_416 = tpu.memref_slice %arg3[%dma_start3A_414, %dma_start3A_415] : memref<1000000x64xf32, #tpu.memory_space<hbm>> -> memref<1000000x64xf32, #tpu.memory_space<hbm>>
        tpu.enqueue_indirect_dma source(%dma_start3A_416 : memref<1000000x64xf32, #tpu.memory_space<hbm>>) target(%dma_start3A_406 : memref<128x64xf32, #tpu.memory_space<vmem>>) offsets(%dma_start3A_413 : memref<128xi32, #tpu.memory_space<vmem>>) semaphore(%arg8 : memref<!tpu.dma_semaphore, #tpu.memory_space<semaphore_mem>>)
        %dma_start3A_417 = arith.constant 1 : i32
        %dma_start3A_418 = arith.constant 2 : i32
        %dma_start3A_419 = arith.constant 1 : i32
        %dma_start3A_420 = arith.constant 0 : i32
        %dma_start3A_421 = arith.constant 0 : i32
        %dma_start3A_422 = tpu.memref_slice %arg6[%dma_start3A_419, %dma_start3A_420, %dma_start3A_421] : memref<2x512x64xf32, #tpu.memory_space<vmem>> -> memref<1x512x64xf32, #tpu.memory_space<vmem>>
        %dma_start3A_423 = tpu.memref_squeeze %dma_start3A_422 : memref<1x512x64xf32, #tpu.memory_space<vmem>> -> memref<512x64xf32, #tpu.memory_space<vmem>>
        %dma_start3A_424 = arith.constant 256 : i32
        %dma_start3A_425 = arith.constant 0 : i32
        %dma_start3A_426 = tpu.memref_slice %dma_start3A_423[%dma_start3A_424, %dma_start3A_425] : memref<512x64xf32, #tpu.memory_space<vmem>> -> memref<128x64xf32, #tpu.memory_space<vmem>>
        %dma_start3A_427 = arith.constant 0 : i32
        %dma_start3A_428 = arith.constant 0 : i32
        %dma_start3A_429 = tpu.memref_slice %arg5[%dma_start3A_417, %dma_start3A_427, %dma_start3A_428] : memref<2x4x128xi32, #tpu.memory_space<vmem>> -> memref<1x4x128xi32, #tpu.memory_space<vmem>>
        %dma_start3A_430 = tpu.memref_squeeze %dma_start3A_429 : memref<1x4x128xi32, #tpu.memory_space<vmem>> -> memref<4x128xi32, #tpu.memory_space<vmem>>
        %dma_start3A_431 = arith.constant 0 : i32
        %dma_start3A_432 = tpu.memref_slice %dma_start3A_430[%dma_start3A_418, %dma_start3A_431] : memref<4x128xi32, #tpu.memory_space<vmem>> -> memref<1x128xi32, #tpu.memory_space<vmem>>
        %dma_start3A_433 = tpu.memref_squeeze %dma_start3A_432 : memref<1x128xi32, #tpu.memory_space<vmem>> -> memref<128xi32, #tpu.memory_space<vmem>>
        %dma_start3A_434 = arith.constant 0 : i32
        %dma_start3A_435 = arith.constant 0 : i32
        %dma_start3A_436 = tpu.memref_slice %arg3[%dma_start3A_434, %dma_start3A_435] : memref<1000000x64xf32, #tpu.memory_space<hbm>> -> memref<1000000x64xf32, #tpu.memory_space<hbm>>
        tpu.enqueue_indirect_dma source(%dma_start3A_436 : memref<1000000x64xf32, #tpu.memory_space<hbm>>) target(%dma_start3A_426 : memref<128x64xf32, #tpu.memory_space<vmem>>) offsets(%dma_start3A_433 : memref<128xi32, #tpu.memory_space<vmem>>) semaphore(%arg8 : memref<!tpu.dma_semaphore, #tpu.memory_space<semaphore_mem>>)
        %dma_start3A_437 = arith.constant 1 : i32
        %dma_start3A_438 = arith.constant 3 : i32
        %dma_start3A_439 = arith.constant 1 : i32
        %dma_start3A_440 = arith.constant 0 : i32
        %dma_start3A_441 = arith.constant 0 : i32
        %dma_start3A_442 = tpu.memref_slice %arg6[%dma_start3A_439, %dma_start3A_440, %dma_start3A_441] : memref<2x512x64xf32, #tpu.memory_space<vmem>> -> memref<1x512x64xf32, #tpu.memory_space<vmem>>
        %dma_start3A_443 = tpu.memref_squeeze %dma_start3A_442 : memref<1x512x64xf32, #tpu.memory_space<vmem>> -> memref<512x64xf32, #tpu.memory_space<vmem>>
        %dma_start3A_444 = arith.constant 384 : i32
        %dma_start3A_445 = arith.constant 0 : i32
        %dma_start3A_446 = tpu.memref_slice %dma_start3A_443[%dma_start3A_444, %dma_start3A_445] : memref<512x64xf32, #tpu.memory_space<vmem>> -> memref<128x64xf32, #tpu.memory_space<vmem>>
        %dma_start3A_447 = arith.constant 0 : i32
        %dma_start3A_448 = arith.constant 0 : i32
        %dma_start3A_449 = tpu.memref_slice %arg5[%dma_start3A_437, %dma_start3A_447, %dma_start3A_448] : memref<2x4x128xi32, #tpu.memory_space<vmem>> -> memref<1x4x128xi32, #tpu.memory_space<vmem>>
        %dma_start3A_450 = tpu.memref_squeeze %dma_start3A_449 : memref<1x4x128xi32, #tpu.memory_space<vmem>> -> memref<4x128xi32, #tpu.memory_space<vmem>>
        %dma_start3A_451 = arith.constant 0 : i32
        %dma_start3A_452 = tpu.memref_slice %dma_start3A_450[%dma_start3A_438, %dma_start3A_451] : memref<4x128xi32, #tpu.memory_space<vmem>> -> memref<1x128xi32, #tpu.memory_space<vmem>>
        %dma_start3A_453 = tpu.memref_squeeze %dma_start3A_452 : memref<1x128xi32, #tpu.memory_space<vmem>> -> memref<128xi32, #tpu.memory_space<vmem>>
        %dma_start3A_454 = arith.constant 0 : i32
        %dma_start3A_455 = arith.constant 0 : i32
        %dma_start3A_456 = tpu.memref_slice %arg3[%dma_start3A_454, %dma_start3A_455] : memref<1000000x64xf32, #tpu.memory_space<hbm>> -> memref<1000000x64xf32, #tpu.memory_space<hbm>>
        tpu.enqueue_indirect_dma source(%dma_start3A_456 : memref<1000000x64xf32, #tpu.memory_space<hbm>>) target(%dma_start3A_446 : memref<128x64xf32, #tpu.memory_space<vmem>>) offsets(%dma_start3A_453 : memref<128xi32, #tpu.memory_space<vmem>>) semaphore(%arg8 : memref<!tpu.dma_semaphore, #tpu.memory_space<semaphore_mem>>)
      } else {
      }
    }
    %scan3A_177 = arith.constant 25 : i32
    return
  }
}

module attributes {stable_mosaic.version = 14 : i64} {
  func.func @_ln_body(%arg0: i32, %arg1: memref<4096x128xf32, #tpu.memory_space<vmem>>, %arg2: memref<1x64xf32, #tpu.memory_space<vmem>>, %arg3: memref<1x64xf32, #tpu.memory_space<vmem>>, %arg4: memref<1x64x4096xf32, #tpu.memory_space<vmem>>) attributes {dimension_semantics = [#tpu.dimension_semantics<arbitrary>], iteration_bounds = array<i64: 200>, scalar_prefetch = 0 : i64, scratch_operands = 0 : i64, tpu.core_type = #tpu.core_type<tc>, window_params = [{transform_indices = @transform_0, window_bounds = array<i64: 4096, 128>}, {pipeline_mode = #tpu.pipeline_mode<synchronous>, transform_indices = @transform_1, window_bounds = array<i64: 1, 64>}, {pipeline_mode = #tpu.pipeline_mode<synchronous>, transform_indices = @transform_2, window_bounds = array<i64: 1, 64>}, {transform_indices = @transform_3, window_bounds = array<i64: 1, 64, 4096>}]} {
    %get3A = arith.constant 0 : index
    %get3A_0 = arith.constant 0 : index
    %get3A_1 = vector.load %arg1[%get3A, %get3A_0] : memref<4096x128xf32, #tpu.memory_space<vmem>>, vector<4096x64xf32>
    %transpose3A = tpu.transpose %get3A_1, [1, 0] : vector<4096x64xf32> -> vector<64x4096xf32>
    %broadcast_in_dim3A = arith.constant 1.562500e-02 : f32
    %broadcast_in_dim3A_2 = vector.broadcast %broadcast_in_dim3A : f32 to vector<64x64xf32>
    %dot_general3A = arith.constant dense<0.000000e+00> : vector<64x4096xf32>
    %dot_general3A_3 = tpu.matmul %broadcast_in_dim3A_2, %transpose3A, %dot_general3A {dimension_numbers = #tpu.dot_dimension_numbers<[1], [0], [0], [1], [0, 0, 1, 1], [], []>, transpose_lhs_hint = false} : vector<64x64xf32>, vector<64x4096xf32>, vector<64x4096xf32> -> vector<64x4096xf32>
    %mul3A = arith.mulf %transpose3A, %transpose3A : vector<64x4096xf32>
    %dot_general3A_4 = arith.constant dense<0.000000e+00> : vector<64x4096xf32>
    %dot_general3A_5 = tpu.matmul %broadcast_in_dim3A_2, %mul3A, %dot_general3A_4 {dimension_numbers = #tpu.dot_dimension_numbers<[1], [0], [0], [1], [0, 0, 1, 1], [], []>, transpose_lhs_hint = false} : vector<64x64xf32>, vector<64x4096xf32>, vector<64x4096xf32> -> vector<64x4096xf32>
    %mul3A_6 = arith.mulf %dot_general3A_3, %dot_general3A_3 : vector<64x4096xf32>
    %sub3A = arith.subf %dot_general3A_5, %mul3A_6 : vector<64x4096xf32>
    %add3A = arith.constant 9.99999974E-6 : f32
    %add3A_7 = vector.broadcast %add3A : f32 to vector<64x4096xf32>
    %add3A_8 = arith.addf %sub3A, %add3A_7 : vector<64x4096xf32>
    %rsqrt3A = math.rsqrt %add3A_8 : vector<64x4096xf32>
    %get3A_9 = arith.constant 0 : index
    %get3A_10 = arith.constant 0 : index
    %get3A_11 = vector.load %arg2[%get3A_9, %get3A_10] : memref<1x64xf32, #tpu.memory_space<vmem>>, vector<1x64xf32>
    %transpose3A_12 = tpu.transpose %get3A_11, [1, 0] : vector<1x64xf32> -> vector<64x1xf32>
    %get3A_13 = arith.constant 0 : index
    %get3A_14 = arith.constant 0 : index
    %get3A_15 = vector.load %arg3[%get3A_13, %get3A_14] : memref<1x64xf32, #tpu.memory_space<vmem>>, vector<1x64xf32>
    %transpose3A_16 = tpu.transpose %get3A_15, [1, 0] : vector<1x64xf32> -> vector<64x1xf32>
    %sub3A_17 = arith.subf %transpose3A, %dot_general3A_3 : vector<64x4096xf32>
    %mul3A_18 = arith.mulf %sub3A_17, %rsqrt3A : vector<64x4096xf32>
    %mul3A_19 = vector.broadcast %transpose3A_12 : vector<64x1xf32> to vector<64x4096xf32>
    %mul3A_20 = arith.mulf %mul3A_18, %mul3A_19 : vector<64x4096xf32>
    %add3A_21 = vector.broadcast %transpose3A_16 : vector<64x1xf32> to vector<64x4096xf32>
    %add3A_22 = arith.addf %mul3A_20, %add3A_21 : vector<64x4096xf32>
    %swap3A = arith.constant 0 : index
    %swap3A_23 = arith.constant 0 : index
    %swap3A_24 = arith.constant 0 : index
    %swap3A_25 = vector.load %arg4[%swap3A, %swap3A_23, %swap3A_24] : memref<1x64x4096xf32, #tpu.memory_space<vmem>>, vector<1x64x4096xf32>
    %swap3A_26 = vector.shape_cast %swap3A_25 : vector<1x64x4096xf32> to vector<64x4096xf32>
    %swap3A_27 = vector.shape_cast %add3A_22 : vector<64x4096xf32> to vector<1x64x4096xf32>
    tpu.vector_store %arg4[%swap3A, %swap3A_23, %swap3A_24], %swap3A_27 {strides = array<i32>} : memref<1x64x4096xf32, #tpu.memory_space<vmem>>, vector<1x64x4096xf32>,
    return
  }
  func.func @transform_0(%arg0: i32) -> (i32, i32) {
    %c0_i32 = arith.constant 0 : i32
    %c0_i32_0 = arith.constant 0 : i32
    return %arg0, %c0_i32 : i32, i32
  }
  func.func @transform_1(%arg0: i32) -> (i32, i32) {
    %c0_i32 = arith.constant 0 : i32
    %c0_i32_0 = arith.constant 0 : i32
    %c0_i32_1 = arith.constant 0 : i32
    return %c0_i32, %c0_i32_0 : i32, i32
  }
  func.func @transform_2(%arg0: i32) -> (i32, i32) {
    %c0_i32 = arith.constant 0 : i32
    %c0_i32_0 = arith.constant 0 : i32
    %c0_i32_1 = arith.constant 0 : i32
    return %c0_i32, %c0_i32_0 : i32, i32
  }
  func.func @transform_3(%arg0: i32) -> (i32, i32, i32) {
    %c0_i32 = arith.constant 0 : i32
    %c0_i32_0 = arith.constant 0 : i32
    %c0_i32_1 = arith.constant 0 : i32
    return %arg0, %c0_i32, %c0_i32_0 : i32, i32, i32
  }
}

</mosaic_0001>

<sc_bundles>
// kernel: kernel.4.cloned.1.call-start
scs
__scs_entry_jumppad:
0x0: {  	(pc) =	sbr.rel $0x88, $3  }
0x1: {  	(tag) =	ssettag $0x0;
	lr =	simm.s32 $0x1  }
0x2: {  	[smem:$0x3F9D] =	sst lr;
	_ =	strace $0xD0000000  }
0x3: {  	_ = 	snop  }
0x4: {  	_ = 	snop  }
0x5: {  	_ = 	snop  }
0x6: {  	_ = 	snop  }
0x7: {  	_ = 	snop  }
__scs_overlays_trampoline_lowered:
0x8: {  	[smem:$0x3FAC] =	sst s0  }
0x9: {  	[smem:$0x3FAD] =	sst s1  }
0xa: {  	[smem:$0x3FAE] =	sst s2  }
0xb: {  	[smem:$0x3FAF] =	sst s3  }
0xc: {  	[smem:$0x3FB0] =	sst s4  }
0xd: {  	[smem:$0x3FB1] =	sst s5  }
0xe: {  	[smem:$0x3FB2] =	sst s6  }
0xf: {  	[smem:$0x3FB3] =	sst s7  }
0x10: {  	[smem:$0x3FB4] =	sst s8  }
0x11: {  	[smem:$0x3FB5] =	sst s9;
	s0 =	simm.s32 @!p0 $0x0  }
0x12: {  	s1 =	sld [smem:$0x3F9B];
	s0 =	simm.s32 @p0 $0x1  }
0x13: {  	[smem:$0x3FB6] =	sst s0;
	s0 =	simm.s32 @!p1 $0x0  }
0x14: {  	s2 =	sld [smem:$0x3F9A];
	s0 =	simm.s32 @p1 $0x1  }
0x15: {  	[smem:$0x3FB7] =	sst s0;
	s0 =	simm.s32 @!p2 $0x0  }
0x16: {  	s3 =	sld [smem:$0x3FDB];
	s0 =	simm.s32 @p2 $0x1  }
0x17: {  	s4 =	simm.s32 $0x1BF5;
	[smem:$0x3FB9] =	sst s0  }
0x18: {  	s0 =	sld [smem:$0x3F9C];
	_ =	swait.ge [sflag:s4], $0x0  }
0x19: {  	s7 =	sld [smem:$0x3F9D]  }
0x1a: {  	s8 =	sadd.s32 $0xFFFFE003, lr  }
0x1b: {  	s9 =	sadd.s32 $0xFFFFFEF7, lr;
	s5 =	simm.s32 $0xFFFFFFFF;
	p2 =	slt.u32 s8, $0xFFFFF086  }
0x1c: {  	p1 =	slt.u32 s9, $0xF7A;
	s5 =	simm.s32 @!p2 $0x0  }
0x1d: {  	s5 =	simm.s32 @p1 $0x1;
	p0 =	seq.s32 s7, s2  }
0x1e: {  	s7 =	smul.u32 @!p0 $0xF7A, s2;
	p2 =	seq.s32 @!p0 s5, $0x0  }
0x1f: {  	s9 =	smul.u32 $0xF7A, s1;
	s8 =	simm.s32 @!p0 $0x1BF5;
	p2 =	por !p2, p0  }
0x20: {  	[sflag:s8] =	ssyncset.s32 @!p0 $0xFFFFF086;
	s6 =	sadd.s32 @!p0 s3, s7;
	s7 =	simm.s32 @!p0 $0x108  }
0x21: {  	s3 =	sadd.s32 s3, s9;
	s6 =	sadd.s32 @!p0 $0x88, s6;
	s7 =	simm.s32 @p2 $0x1082  }
0x22: {  	[simem:s7], [sflag:s8] =	dma.local @!p0 [hbm:s6], $0xF7A  }
0x23: {  	s9 =	sor.u32 $0xD0000000, s2;
	s6 =	simm.s32 $0x108;
	_ =	swait.ge @!p0 [sflag:s8], $0x0  }
0x24: {  	s3 =	sadd.s32 $0x88, s3;
	s6 =	simm.s32 @!p1 $0x1082;
	[sflag:s4] =	ssyncset.s32 $0xFFFFF086  }
0x25: {  	[simem:s6], [sflag:s4] =	dma.local [hbm:s3], $0xF7A  }
0x26: {  	[smem:$0x3F9D] =	sst s1;
	(tag) =	ssettag s2;
	_ =	strace s9  }
0x27: {  	s1 =	sld [smem:$0x3FAD]  }
0x28: {  	s2 =	sld [smem:$0x3FAE]  }
0x29: {  	s4 =	sld [smem:$0x3FB0]  }
0x2a: {  	p0 =	seq.s32 s5, $0x0;
	s5 =	sld [smem:$0x3FB1]  }
0x2b: {  	s6 =	sld [smem:$0x3FB2]  }
0x2c: {  	s7 =	sld [smem:$0x3FB3]  }
0x2d: {  	s3 =	simm.s32 $0x108;
	s8 =	sld [smem:$0x3FB4]  }
0x2e: {  	s3 =	simm.s32 @!p0 $0x1082;
	s9 =	sld [smem:$0x3FB5]  }
0x2f: {  	lr =	sadd.s32 s0, s3;
	s0 =	sld [smem:$0x3FAC]  }
0x30: {  	s3 =	sld [smem:$0x3FAF]  }
0x31: {  	[smem:$0x3FB8] =	sst s10  }
0x32: {  	s10 =	sld [smem:$0x3FB6];
	_ =	sdelay $0x3  }
0x33: {  	p0 =	seq.s32 s10, $0x1;
	s10 =	sld [smem:$0x3FB8];
	_ =	sdelay $0x3  }
0x34: {  	[smem:$0x3FB8] =	sst s10  }
0x35: {  	s10 =	sld [smem:$0x3FB7];
	_ =	sdelay $0x3  }
0x36: {  	p1 =	seq.s32 s10, $0x1;
	s10 =	sld [smem:$0x3FB8];
	_ =	sdelay $0x3  }
0x37: {  	[smem:$0x3FB8] =	sst s10  }
0x38: {  	s10 =	sld [smem:$0x3FB9]  }
0x39: {  	_ = 	snop;
	(pc) =	sbr.ind lr, $3  }
0x3a: {  	_ = 	snop  }
0x3b: {  	_ = 	snop  }
0x3c: {  	p2 =	seq.s32 s10, $0x1;
	s10 =	sld [smem:$0x3FB8]  }
0x3d: {  	_ =	shalt  }
0x3e: {  	_ =	shalt  }
0x3f: {  	_ =	shalt  }
0x40: {  	_ =	shalt  }
0x41: {  	_ =	shalt  }
0x42: {  	_ =	shalt  }
0x43: {  	_ =	shalt  }
0x44: {  	_ =	shalt  }
0x45: {  	_ =	shalt  }
0x46: {  	_ =	shalt  }
0x47: {  	_ =	shalt  }
0x48: {  	_ =	shalt  }
0x49: {  	_ =	shalt  }
0x4a: {  	_ =	shalt  }
0x4b: {  	_ =	shalt  }
0x4c: {  	_ =	shalt  }
0x4d: {  	_ =	shalt  }
0x4e: {  	_ =	shalt  }
0x4f: {  	_ =	shalt  }
0x50: {  	_ =	shalt  }
0x51: {  	_ =	shalt  }
0x52: {  	_ =	shalt  }
0x53: {  	_ =	shalt  }
0x54: {  	_ =	shalt  }
0x55: {  	_ =	shalt  }
0x56: {  	_ =	shalt  }
0x57: {  	_ =	shalt  }
0x58: {  	_ =	shalt  }
0x59: {  	_ =	shalt  }
0x5a: {  	_ =	shalt  }
0x5b: {  	_ =	shalt  }
0x5c: {  	_ =	shalt  }
0x5d: {  	_ =	shalt  }
0x5e: {  	_ =	shalt  }
0x5f: {  	_ =	shalt  }
0x60: {  	_ =	shalt  }
0x61: {  	_ =	shalt  }
0x62: {  	_ =	shalt  }
0x63: {  	_ =	shalt  }
0x64: {  	_ =	shalt  }
0x65: {  	_ =	shalt  }
0x66: {  	_ =	shalt  }
0x67: {  	_ =	shalt  }
0x68: {  	_ =	shalt  }
0x69: {  	_ =	shalt  }
0x6a: {  	_ =	shalt  }
0x6b: {  	_ =	shalt  }
0x6c: {  	_ =	shalt  }
0x6d: {  	_ =	shalt  }
0x6e: {  	_ =	shalt  }
0x6f: {  	_ =	shalt  }
0x70: {  	_ =	shalt  }
0x71: {  	_ =	shalt  }
0x72: {  	_ =	shalt  }
0x73: {  	_ =	shalt  }
0x74: {  	_ =	shalt  }
0x75: {  	_ =	shalt  }
0x76: {  	_ =	shalt  }
0x77: {  	_ =	shalt  }
0x78: {  	_ =	shalt  }
0x79: {  	_ =	shalt  }
0x7a: {  	_ =	shalt  }
0x7b: {  	_ =	shalt  }
0x7c: {  	_ =	shalt  }
0x7d: {  	_ =	shalt  }
0x7e: {  	_ =	shalt  }
0x7f: {  	_ =	shalt  }
0x80: {  	_ =	shalt  }
0x81: {  	_ =	shalt  }
0x82: {  	_ =	shalt  }
0x83: {  	_ =	shalt  }
0x84: {  	_ =	shalt  }
0x85: {  	_ =	shalt  }
0x86: {  	_ =	shalt  }
0x87: {  	_ =	shalt  }
.Lfunc_end0:
.L_simem_size_0:
called_computation_lowered:
.L_overlay_start_0:
0x88: {  	s2 =	sld [smem:$0x3FD9]  }
0x89: {  	s3 =	sld [smem:$0x3FFE];
	_ =	sdelay $0x1  }
0x8a: {  	s1 =	srdreg.scid  }
0x8b: {  	s0 =	sand.u32 $0x1, s1  }
0x8c: {  	s17 =	sshll.u32 s0, $0xA;
	s2 =	sadd.s32 s3, s2  }
0x8d: {  	s2 =	sadd.s32 s2, s17  }
0x8e: {  	[smem:$0x3FC4] =	sst s2  }
0x8f: {  	_ = 	snop  }
0x90: {  	s2 =	sld [smem:$0x3FD0];
	(tm) =	ssettm $0x1  }
0x91: {  	s18 =	sld [smem:$0x3FFB];
	_ =	sdelay $0x3  }
0x92: {  	_ =	strace s18  }
0x93: {  	s3 =	sld [smem:$0x3FFC];
	_ =	sdelay $0x3  }
0x94: {  	_ =	strace s3  }
0x95: {  	s3 =	sld [smem:$0x3FFD];
	_ =	sdelay $0x3  }
0x96: {  	_ =	strace s3  }
0x97: {  	_ =	strace $0x8FFFFFFF  }
0x98: {  	s19 =	sld [smem:$0x3FDB];
	_ =	sdelay $0x1  }
0x99: {  	s4 =	simm.s32 $_scs_section_size  }
0x9a: {  	s5 =	simm.s32 $_size__tile_overlayer_lowered;
	s6 =	simm.s32 $_tile_overlayer_lowered  }
0x9b: {  	s22 =	simm.s32 $0x1BFF;
	s21 =	sshll.u32 s6, $0x1;
	s3 =	sadd.s32 s4, s19  }
0x9c: {  	s7 =	simm.s32 $0x0;
	s20 =	sshll.u32 s5, $0x1;
	s5 =	sadd.s32 s21, s3  }
0x9d: {  	[timem:s7], [sflag:s22] =	dma.local [hbm:s5], s20  }
0x9e: {  	_ =	swait.ge [sflag:s22], s20  }
0x9f: {  	s4 =	ssub.s32 $0x0, s20;
	[sflag:s22] =	ssyncset.done $0x0  }
0xa0: {  	[sflag:s22] =	ssyncadd.s32 s4;
	_ =	sdelay $0x1  }
0xa1: {  	s23 =	simm.s32 $0x1B8B  }
0xa2: {  	_ =	swait.ge [sflag:s23], $0x1  }
0xa3: {  	[sflag:s23] =	ssyncset.done $0x0  }
0xa4: {  	s25 =	simm.s32 $0x1B8E;
	s24 =	sld [smem:$0x3FFE];
	[sflag:s23] =	ssyncadd.s32 $0xFFFFFFFF  }
0xa5: {  	s26 =	simm.s32 $execute0_lowered;
	[smem:$0x3FD2] =	sst s25  }
0xa6: {  	s5 =	sshll.u32 s26, $0x1;
	_ =	strace $0x80000046;
	[dreg:$0x1] =	wrdreg $0xFFFFFFFF  }
0xa7: {  	s28 =	simm.s32 $_size_execute0_lowered;
	s3 =	sadd.s32 s3, s5;
	[dreg:$0x0] =	wrdreg $0x0  }
0xa8: {  	s5 =	sshll.u32 s28, $0x1;
	[dreg:$0x2] =	wrdreg s3  }
0xa9: {  	[dreg:$0x3] =	wrdreg s5  }
0xaa: {  	[dreg:$0x4] =	wrdreg $0xC0  }
0xab: {  	_ =	task [dreg:s7], $0x5FFFF  }
0xac: {  	[dreg:$0x1] =	wrdreg $0xFFFFFFFF  }
0xad: {  	[dreg:$0x0] =	wrdreg $0x60  }
0xae: {  	[dreg:$0x2] =	wrdreg s2  }
0xaf: {  	[dreg:$0x3] =	wrdreg s24  }
0xb0: {  	[dreg:$0x4] =	wrdreg $0x9  }
0xb1: {  	_ =	task.clear_ibuf [dreg:s7], $0x5FFFF;
	_ =	strace $0x90000046  }
0xb2: {  	s29 =	simm.s32 $0x9;
	_ =	strace $0x80000048  }
0xb3: {  	_ =	swait.ge [sflag:s29], $0x1  }
0xb4: {  	[sflag:s29] =	ssyncadd.s32 $0xFFFFFFFF  }
0xb5: {  	_ =	strace $0x90000048  }
0xb6: {  	_ =	sfence  }
0xb7: {  	s30 =	sld [smem:$0x0];
	_ =	sdelay $0x2  }
0xb8: {  	s31 =	sshll.u32 s1, $0xD;
	s1 =	sshrl.u32 s1, $0x2  }
0xb9: {  	s3 =	sand.u32 $0x4000, s31;
	s1 =	sadd.s32 s1, s30  }
0xba: {  	s0 =	sor.u32 s3, s0;
	s1 =	sshll.u32 s1, $0x11  }
0xbb: {  	s0 =	sor.u32 s1, s0  }
0xbc: {  	s0 =	sadd.s32 $0x8F2B, s0  }
0xbd: {  	[sflag:s0] =	ssyncadd.remote.s32 $0x1  }
0xbe: {  	_ =	sfence.sel $0xFFFF  }
0xbf: {  	[dreg:$0x0] =	wrdreg $0xFFFFFFFF;
	(pc) =	sbr.abs _section_cstart, $3  }
0xc0: {  	[dreg:$0x1] =	wrdreg $0xFFFFFFFF  }
0xc1: {  	_ =	task.clear_ibuf [dreg:s7], $0x2FFFF;
	_ =	strace $0x9FFFFFFF  }
0xc2: {  	(tm) =	ssettm $0x7FFFFFFF  }
0xc3: {  	_ =	shalt  }
tec
execute0_lowered:
.L_overlay_start_1:
0x0: {  	(tag) =	ssettag $0x1  }
0x1: {  	s0 =	rddreg [dreg:$0x0]  }
0x2: {  	s1 =	rddreg [dreg:$0x1];
	s2 =	simm.s32 $0x0;
	s3 =	srdreg.scid  }
0x3: {  	s12 =	stileid.u32;
	s13 =	simm.s32 $0x400;
	s18 =	simm.s32 $0x6400  }
0x4: {  	s19 =	simm.s32 $0x200;
	s28 =	simm.s32 $0x1;
	s29 =	simm.s32 $0x40  }
0x5: {  	s30 =	simm.s32 $0x2;
	s31 =	simm.s32 $0x0;
	[smem:$0x7FF] =	sst s2  }
0x6: {  	s8 =	sand.u32 $0x1, s3;
	s20 =	sshll.u32 s12, $0x1;
	s4 =	smul.u32 $0x64, s12  }
0x7: {  	s3 =	sadd.s32 $0xF42E00, s1;
	s10 =	sadd.s32 $0xA00, s1;
	s12 =	smul.u32 $0xC8000, s12  }
0x8: {  	s23 =	sadd.s32 $0x40, s0;
	_ =	strace $0x80000047;
	s7 =	smul.u32 $0x32, s8  }
0x9: {  	s5 =	ssub.s32 $0x2, s8;
	s6 =	sor.u32 s8, s20;
	s8 =	smul.u32 $0x64000, s8  }
0xa: {  	s20 =	simm.s32 $0x8400;
	s9 =	sshrl.u32 s5, $0x1;
	s6 =	smul.u32 $0xC80, s6  }
0xb: {  	s26 =	sadd.s32 s12, s10;
	s12 =	simm.s32 $0x80;
	s22 =	sadd.s32 s7, s4  }
0xc: {  	s21 =	ssub.s32 s5, s9;
	s4 =	sadd.s32 s0, s6;
	s11 =	sshll.u32 s22, $0x6  }
0xd: {  	s5 =	sadd.s32 s6, s23;
	s6 =	smax.u32 s21, $0x1;
	s25 =	sshll.u32 s22, $0xD  }
.Ltmp0:
0xe: {  	s21 =	simm.s32 $0x280;
	s22 =	simm.s32 $0xA400;
	(pc) =	sbr.rel .LBB2_1-.Ltmp0, $4  }
0xf: {  	s24 =	sadd.s32 s23, s11;
	s1 =	sadd.s32 s25, s10;
	s0 =	sadd.s32 s0, s11  }
0x10: {  	s11 =	simm.s32 $0x3;
	s23 =	simm.s32 $0x300;
	s25 =	simm.s32 $0x380  }
0x11: {  	s7 =	sadd.s32 $0x80, s24;
	s1 =	sadd.s32 $0x2000, s1;
	s9 =	sadd.s32 $0x80, s0  }
0x12: {  	s0 =	sadd.s32 s8, s26;
	s24 =	simm.s32 $0xC400;
	s26 =	simm.s32 $0xE400  }
.LBB2_4:
0x13: {  	s31 =	sadd.s32 $0x1, s31  }
0x14: {  	p0 =	sne.s32 s31, s6  }
.Ltmp1:
0x15: {  	_ = 	snop;
	(pc) =	sbr.rel @!p0 .LBB2_5-.Ltmp1, $1  }
0x16: {  	_ =	sdelay $0x3  }
.LBB2_1:
0x17: {  	[tilespmem:s2], [sflag:$0x3] =	stream.linear.gather [hbm4b:s4+s2], $0x200, $0x38;
	[tilespmem:$0x10400] =	vst v63  }
0x18: {  	_ =	swait.ge [sflag:s11], $0x200  }
0x19: {  	[sflag:s11] =	ssyncset.done $0x0  }
0x1a: {  	[sflag:s11] =	ssyncadd.s32 $0xFFFFFE00  }
0x1b: {  	[tilespmem:s13], [sflag:$0x1] =	stream.indirect.gather [hbm4b:s3+s12], $0x40, s2, s12, $0xb8;
	[tilespmem:$0x10400] =	vst v63  }
0x1c: {  	s8 =	simm.s32 $0x2400  }
0x1d: {  	[tilespmem:s8], [sflag:$0x1] =	stream.indirect.gather [hbm4b:s3+s12], $0x40, s12, s12, $0xb8;
	[tilespmem:$0x10400] =	vst v63  }
0x1e: {  	s16 =	simm.s32 $0x100;
	s10 =	simm.s32 $0x4400  }
0x1f: {  	[tilespmem:s10], [sflag:$0x1] =	stream.indirect.gather [hbm4b:s3+s12], $0x40, s16, s12, $0xb8;
	[tilespmem:$0x10400] =	vst v63  }
0x20: {  	s17 =	simm.s32 $0x180  }
0x21: {  	[tilespmem:s18], [sflag:$0x1] =	stream.indirect.gather [hbm4b:s3+s12], $0x40, s17, s12, $0xb8;
	[tilespmem:$0x10400] =	vst v63  }
0x22: {  	_ = 	snop  }
0x23: {  	[tilespmem:s19], [sflag:$0x3] =	stream.linear.gather [hbm4b:s5+s2], $0x200, $0x38;
	[tilespmem:$0x10400] =	vst v63  }
0x24: {  	_ =	swait.ge [sflag:s11], $0x200  }
0x25: {  	[sflag:s11] =	ssyncset.done $0x0  }
0x26: {  	[sflag:s11] =	ssyncadd.s32 $0xFFFFFE00  }
0x27: {  	[tilespmem:s20], [sflag:$0x2] =	stream.indirect.gather [hbm4b:s3+s12], $0x40, s19, s12, $0xb8;
	[tilespmem:$0x10400] =	vst v63  }
0x28: {  	_ = 	snop  }
0x29: {  	[tilespmem:s22], [sflag:$0x2] =	stream.indirect.gather [hbm4b:s3+s12], $0x40, s21, s12, $0xb8;
	[tilespmem:$0x10400] =	vst v63  }
0x2a: {  	_ = 	snop  }
0x2b: {  	[tilespmem:s24], [sflag:$0x2] =	stream.indirect.gather [hbm4b:s3+s12], $0x40, s23, s12, $0xb8;
	[tilespmem:$0x10400] =	vst v63  }
0x2c: {  	s14 =	simm.s32 $0x0;
	s8 =	smov.u32 s1;
	s10 =	smov.u32 s0  }
0x2d: {  	[tilespmem:s26], [sflag:$0x2] =	stream.indirect.gather [hbm4b:s3+s12], $0x40, s25, s12, $0xb8;
	[tilespmem:$0x10400] =	vst v63  }
.LBB2_2:
0x2e: {  	_ =	swait.ge [sflag:s28], $0x2000  }
0x2f: {  	[sflag:s28] =	ssyncset.done $0x0  }
0x30: {  	[sflag:s28] =	ssyncadd.s32 $0xFFFFE000  }
0x31: {  	_ =	swait.ge [sflag:s28], $0x2000  }
0x32: {  	[sflag:s28] =	ssyncset.done $0x0  }
0x33: {  	[sflag:s28] =	ssyncadd.s32 $0xFFFFE000  }
0x34: {  	_ =	swait.ge [sflag:s28], $0x2000  }
0x35: {  	[sflag:s28] =	ssyncset.done $0x0  }
0x36: {  	[sflag:s28] =	ssyncadd.s32 $0xFFFFE000  }
0x37: {  	_ =	swait.ge [sflag:s28], $0x2000  }
0x38: {  	[sflag:s28] =	ssyncset.done $0x0  }
0x39: {  	[sflag:s28] =	ssyncadd.s32 $0xFFFFE000  }
0x3a: {  	[hbm4b:s10+s29] =	stream.strided.scatter [tilespmem:s13], [sflag:$0x3], $0x8000, s12, s29, $0x38;
	[tilespmem:$0x10400] =	vst v63  }
0x3b: {  	_ =	swait.ge [sflag:s11], $0x8000  }
0x3c: {  	p0 =	seq.s32 s14, $0xC00;
	[sflag:s11] =	ssyncset.done $0x0  }
0x3d: {  	s15 =	sadd.s32 @!p0 s14, s9;
	s16 =	simm.s32 @!p0 $0x0;
	[sflag:s11] =	ssyncadd.s32 $0xFFFF8000  }
0x3e: {  	[tilespmem:s16], [sflag:$0x3] =	stream.linear.gather @!p0 [hbm4b:s15+s16], $0x200, $0x38;
	[tilespmem:$0x10400] =	vst v63  }
0x3f: {  	s15 =	simm.s32 @!p0 $0x3  }
0x40: {  	_ =	swait.ge @!p0 [sflag:s15], $0x200  }
0x41: {  	[sflag:s15] =	ssyncset.done @!p0 $0x0  }
0x42: {  	s17 =	simm.s32 @!p0 $0x400;
	[sflag:s15] =	ssyncadd.s32 @!p0 $0xFFFFFE00;
	s15 =	simm.s32 @!p0 $0x80  }
0x43: {  	[tilespmem:s17], [sflag:$0x1] =	stream.indirect.gather @!p0 [hbm4b:s3+s15], $0x40, s16, s15, $0xb8;
	[tilespmem:$0x10400] =	vst v63  }
0x44: {  	s16 =	simm.s32 @!p0 $0x2400  }
0x45: {  	[tilespmem:s16], [sflag:$0x1] =	stream.indirect.gather @!p0 [hbm4b:s3+s15], $0x40, s15, s15, $0xb8;
	[tilespmem:$0x10400] =	vst v63  }
0x46: {  	s17 =	simm.s32 @!p0 $0x4400;
	s16 =	simm.s32 @!p0 $0x100  }
0x47: {  	[tilespmem:s17], [sflag:$0x1] =	stream.indirect.gather @!p0 [hbm4b:s3+s15], $0x40, s16, s15, $0xb8;
	[tilespmem:$0x10400] =	vst v63  }
0x48: {  	s16 =	simm.s32 @!p0 $0x180;
	s17 =	simm.s32 @!p0 $0x6400  }
0x49: {  	[tilespmem:s17], [sflag:$0x1] =	stream.indirect.gather @!p0 [hbm4b:s3+s15], $0x40, s16, s15, $0xb8;
	[tilespmem:$0x10400] =	vst v63  }
0x4a: {  	_ =	swait.ge [sflag:s30], $0x2000  }
0x4b: {  	[sflag:s30] =	ssyncset.done $0x0  }
0x4c: {  	[sflag:s30] =	ssyncadd.s32 $0xFFFFE000  }
0x4d: {  	_ =	swait.ge [sflag:s30], $0x2000  }
0x4e: {  	[sflag:s30] =	ssyncset.done $0x0  }
0x4f: {  	[sflag:s30] =	ssyncadd.s32 $0xFFFFE000  }
0x50: {  	_ =	swait.ge [sflag:s30], $0x2000  }
0x51: {  	[sflag:s30] =	ssyncset.done $0x0  }
0x52: {  	[sflag:s30] =	ssyncadd.s32 $0xFFFFE000  }
0x53: {  	_ =	swait.ge [sflag:s30], $0x2000  }
0x54: {  	[sflag:s30] =	ssyncset.done $0x0  }
.Ltmp2:
0x55: {  	[sflag:s30] =	ssyncadd.s32 $0xFFFFE000;
	(pc) =	sbr.rel @p0 .LBB2_4-.Ltmp2, $4  }
0x56: {  	[hbm4b:s8+s29] =	stream.strided.scatter [tilespmem:s20], [sflag:$0x3], $0x8000, s12, s29, $0x38;
	[tilespmem:$0x10400] =	vst v63  }
0x57: {  	_ =	swait.ge [sflag:s11], $0x8000  }
0x58: {  	[sflag:s11] =	ssyncset.done $0x0  }
0x59: {  	[sflag:s11] =	ssyncadd.s32 $0xFFFF8000  }
0x5a: {  	s15 =	sadd.s32 s14, s7  }
0x5b: {  	[tilespmem:s19], [sflag:$0x3] =	stream.linear.gather [hbm4b:s15+s2], $0x200, $0x38;
	[tilespmem:$0x10400] =	vst v63  }
0x5c: {  	_ =	swait.ge [sflag:s11], $0x200  }
0x5d: {  	[sflag:s11] =	ssyncset.done $0x0  }
0x5e: {  	[sflag:s11] =	ssyncadd.s32 $0xFFFFFE00  }
0x5f: {  	[tilespmem:s20], [sflag:$0x2] =	stream.indirect.gather [hbm4b:s3+s12], $0x40, s19, s12, $0xb8;
	[tilespmem:$0x10400] =	vst v63  }
0x60: {  	_ = 	snop  }
0x61: {  	[tilespmem:s22], [sflag:$0x2] =	stream.indirect.gather [hbm4b:s3+s12], $0x40, s21, s12, $0xb8;
	[tilespmem:$0x10400] =	vst v63  }
.Ltmp3:
0x62: {  	_ = 	snop;
	(pc) =	sbr.rel .LBB2_2-.Ltmp3, $4  }
0x63: {  	_ = 	snop  }
0x64: {  	[tilespmem:s24], [sflag:$0x2] =	stream.indirect.gather [hbm4b:s3+s12], $0x40, s23, s12, $0xb8;
	[tilespmem:$0x10400] =	vst v63  }
0x65: {  	s14 =	sadd.s32 $0x80, s14;
	s8 =	sadd.s32 $0x4000, s8;
	s10 =	sadd.s32 $0x4000, s10  }
0x66: {  	[tilespmem:s26], [sflag:$0x2] =	stream.indirect.gather [hbm4b:s3+s12], $0x40, s25, s12, $0xb8;
	[tilespmem:$0x10400] =	vst v63  }
.LBB2_5:
0x67: {  	_ =	sfence.sel $0x180000  }
0x68: {  	[bflag:$0x0] =	sbarrier.arrive $0xFFFF  }
0x69: {  	_ =	strace $0x90000047  }
0x6a: {  	s0 =	stileid.u32;
	[bflag:$0x2] =	sbarrier.arrive $0xFFFF  }
0x6b: {  	p0 =	sne.s32 s0, $0x0;
	s0 =	rddreg [dreg:$0x2]  }
0x6c: {  	s0 =	sadd.s32 @!p0 $0x100000, s0  }
0x6d: {  	[sflag:s0] =	ssyncadd.tile.s32 @!p0 $0x1;
	_ =	shalt  }
.Lfunc_end2:
_tile_overlayer_lowered:
.L_overlay_start_2:
0x6e: {  	(tag) =	ssettag $0x2  }
0x6f: {  	s0 =	rddreg [dreg:$0x0];
	s2 =	stileid.u32  }
0x70: {  	s1 =	rddreg [dreg:$0x1];
	p0 =	sne.s32 s2, $0x0  }
0x71: {  	s3 =	rddreg [dreg:$0x2];
	[bflag:$0x3] =	sbarrier.arrive $0xFFFF;
	s2 =	simm.s32 @!p0 $0x1C03  }
0x72: {  	[timem:s3], [sflag:s2] =	dma.local @!p0 [hbm:s0], s1  }
0x73: {  	s0 =	simm.s32 @!p0 $0x3  }
0x74: {  	_ =	swait.ge @!p0 [sflag:s0], s1  }
0x75: {  	s1 =	ssub.s32 @!p0 $0x0, s1;
	[sflag:s0] =	ssyncset.done @!p0 $0x0  }
0x76: {  	[sflag:s0] =	ssyncadd.s32 @!p0 s1  }
0x77: {  	[bflag:$0x3] =	sbarrier.arrive $0xFFFF  }
0x78: {  	_ =	shalt  }

</sc_bundles>
